<compile_context>
chip_gen: v7x
topology: tpu7x:2x2x1
jax: 0.10.2.dev20260603
libtpu: 0.0.44.dev20260713+nightly
codegen_flags: <defaults>
</compile_context>

<pallas_src>
import jax
import jax.numpy as jnp
from jax import lax
from jax.experimental import pallas as pl
from jax.experimental.pallas import tpu as pltpu
from jax.experimental.pallas import tpu_sc as plsc

_K = 512
_BINS = _K + 1
_BS = 4
_L = 16


def _codes_body(x_ref, c_ref, o_ref):
    cm = c_ref[...]
    cn = jnp.sum(cm * cm, axis=1, keepdims=True)
    for b in range(4):
        xb = x_ref[pl.ds(b * 96, 96), :]
        prod = lax.dot_general(
            cm, xb, (((1,), (0,)), ((), ())),
            precision=lax.Precision.HIGHEST,
            preferred_element_type=jnp.float32,
        )
        s = cn - 2.0 * prod
        m = jnp.min(s, axis=0, keepdims=True)
        ki = lax.broadcasted_iota(jnp.int32, s.shape, 0)
        code = jnp.min(jnp.where(s == m, ki, _K), axis=0, keepdims=True)
        o_ref[pl.ds(b, 1), :] = code + 1


def _hist_body(codes_hbm, zeros_hbm, out_hbm, codes_v, buf):
    wid = lax.axis_index("s")

    @pl.when(wid < 4)
    def _():
        g = wid
        pltpu.sync_copy(zeros_hbm, buf)
        pltpu.sync_copy(codes_hbm.at[pl.ds(g * 256, 256)], codes_v)
        l = lax.iota(jnp.int32, _L)
        lq, lr = l // _BS, l % _BS
        ones = jnp.full((_L,), 1.0 / 16.0, dtype=jnp.float32)
        for p in range(16):
            src = (lq * _BS + p // _BS) * 16 + lr * _BS + (p % _BS)
            cv = plsc.load_gather(codes_v, [src])
            plsc.addupdate_scatter(buf, [l * _BINS + cv], ones)
        pltpu.sync_copy(buf, out_hbm.at[g])


def kernel(x, cluster_centers):
    B, C, H, W = x.shape
    xr = x.reshape(B * C, H * W)
    cm = cluster_centers.reshape(_K, C)
    codes = pl.pallas_call(
        _codes_body,
        out_shape=jax.ShapeDtypeStruct((B, H * W), jnp.int32),
    )(xr, cm).reshape(B * H * W)

    zeros = jnp.zeros((_L * _BINS,), dtype=jnp.float32)
    hist = pl.kernel(
        _hist_body,
        out_type=jax.ShapeDtypeStruct((B, _L * _BINS), jnp.float32),
        mesh=plsc.VectorSubcoreMesh(
            core_axis_name="c", subcore_axis_name="s", num_cores=1
        ),
        compiler_params=pltpu.CompilerParams(needs_layout_passes=False),
        scratch_types=[
            pltpu.VMEM((256,), jnp.int32),
            pltpu.VMEM((_L * _BINS,), jnp.float32),
        ],
    )(codes, zeros)
    return hist.reshape(B, _L, _BINS)

# --- scband reference (transcript-rebuilt; emitter-appended) ---
"""Pipeline reference for scband-global-retrieval-branch-42056319762525 (READ-ONLY COPY).

The authoritative reference and input builder live on the scoring server;
editing this copy changes nothing except your own understanding.
"""

import jax, jax.numpy as jnp
import numpy as np

N_CLUSTERS = 512
S = 4
INPUT_SIZE = 16
BLOCK_SIZE = (INPUT_SIZE + S - 1) // S  # 4
PADDING = BLOCK_SIZE * S - INPUT_SIZE   # 0


def setup_inputs(seed: int = 0) -> dict:
    key = jax.random.key(seed)
    k1, k2 = jax.random.split(key)
    x = jax.random.normal(k1, (4, 96, 16, 16), dtype=jnp.float32)
    # learned (frozen) codebook parameter: (1, n_clusters, in_channels, 1, 1)
    cluster_centers = jax.random.normal(k2, (1, N_CLUSTERS, 96, 1, 1), dtype=jnp.float32)
    return {"x": x, "cluster_centers": cluster_centers}


def _unfold(xf, bs, pad):
    # Faithful nn.Unfold(kernel=(bs,bs), stride=bs, padding=pad)
    B, C, H, W = xf.shape
    xp = jnp.pad(xf, ((0, 0), (0, 0), (pad, pad), (pad, pad)))
    Hp, Wp = xp.shape[2], xp.shape[3]
    nh = (Hp - bs) // bs + 1
    nw = (Wp - bs) // bs + 1
    xp = xp[:, :, : nh * bs, : nw * bs]
    p = xp.reshape(B, C, nh, bs, nw, bs)
    # torch unfold channel ordering: C x kh x kw; spatial L row-major (nh, nw)
    p = p.transpose(0, 1, 3, 5, 2, 4).reshape(B, C * bs * bs, nh * nw)
    return p


def reference(x, cluster_centers):
    # Codebook.forward: square(x[:,None] - centers).sum(2).argmin(1, keepdim=True)
    d = jnp.sum(jnp.square(x[:, None] - cluster_centers), axis=2)  # (B, K, H, W)
    code = jnp.argmin(d, axis=1)[:, None]  # (B, 1, H, W), int
    # BlockWiseHistogramEncoder.forward: unfold(code.float()+1).long() -> one_hot -> mean(1)
    xf = code.astype(jnp.float32) + 1.0
    patches = _unfold(xf, BLOCK_SIZE, PADDING)  # (B, kh*kw, L)
    idx = patches.astype(jnp.int32)
    oh = jax.nn.one_hot(idx, N_CLUSTERS + 1, dtype=jnp.float32)  # (B, kh*kw, L, K+1)
    return oh.mean(axis=1)  # (B, L, K+1) = (4, 16, 513)

if __name__ == "__main__":
    import jax
    _d = setup_inputs()
    print(jax.jit(kernel)(*tuple(_d.values())))

</pallas_src>

<mosaic_0001>
#map = affine_map<(d0, d1) -> (0)>
#map1 = affine_map<(d0, d1) -> (0, 0)>
module attributes {stable_mosaic.version = 14 : i64} {
  func.func @_hist_body(%arg0: i32, %arg1: i32, %arg2: memref<1024xi32, #tpu.memory_space<hbm>>, %arg3: memref<8208xf32, #tpu.memory_space<hbm>>, %arg4: memref<4x8208xf32, #tpu.memory_space<hbm>>, %arg5: memref<256xi32, #tpu.memory_space<vmem>>, %arg6: memref<8208xf32, #tpu.memory_space<vmem>>) attributes {dimension_semantics = [#tpu.dimension_semantics<core_parallel>, #tpu.dimension_semantics<subcore_parallel>], iteration_bounds = array<i64: 1, 16>, scalar_prefetch = 0 : i64, scratch_operands = 2 : i64, tpu.core_type = #tpu.core_type<sc_vector_subcore>, window_params = [{transform_indices = #map}, {transform_indices = #map}, {transform_indices = #map1}]} {
    %lt3A = arith.constant 4 : i32
    %lt3A_0 = arith.cmpi slt, %arg1, %lt3A : i32
    %convert_element_type3A = arith.extui %lt3A_0 : i1 to i32
    %cond3A = arith.constant 0 : i32
    %cond3A_1 = arith.cmpi ne, %convert_element_type3A, %cond3A : i32
    scf.if %cond3A_1 {
      "tpu.region"() ({
        %run_scoped3A = tpu.sem_alloc : memref<!tpu.dma_semaphore, #tpu.memory_space<semaphore_mem>>
        tpu.enqueue_dma source(%arg3 : memref<8208xf32, #tpu.memory_space<hbm>>) target(%arg6 : memref<8208xf32, #tpu.memory_space<vmem>>) target_semaphore(%run_scoped3A : memref<!tpu.dma_semaphore, #tpu.memory_space<semaphore_mem>>)
        tpu.wait_dma2 semaphore(%run_scoped3A : memref<!tpu.dma_semaphore, #tpu.memory_space<semaphore_mem>>) src(%arg3 : memref<8208xf32, #tpu.memory_space<hbm>>) dst(%arg6 : memref<8208xf32, #tpu.memory_space<vmem>>)
        tpu.yield
      }) : () -> ()
      %mul3A = arith.constant 256 : i32
      %mul3A_2 = arith.muli %arg1, %mul3A : i32
      "tpu.region"() ({
        %run_scoped3A = tpu.sem_alloc : memref<!tpu.dma_semaphore, #tpu.memory_space<semaphore_mem>>
        %dma_start3A = tpu.memref_slice %arg2[%mul3A_2] : memref<1024xi32, #tpu.memory_space<hbm>> -> memref<256xi32, #tpu.memory_space<hbm>>
        %dma_start3A_382 = tpu.memref_slice %arg2[%mul3A_2] : memref<1024xi32, #tpu.memory_space<hbm>> -> memref<256xi32, #tpu.memory_space<hbm>>
        tpu.enqueue_dma source(%dma_start3A_382 : memref<256xi32, #tpu.memory_space<hbm>>) target(%arg5 : memref<256xi32, #tpu.memory_space<vmem>>) target_semaphore(%run_scoped3A : memref<!tpu.dma_semaphore, #tpu.memory_space<semaphore_mem>>)
        %dma_wait3A = tpu.memref_slice %arg2[%mul3A_2] : memref<1024xi32, #tpu.memory_space<hbm>> -> memref<256xi32, #tpu.memory_space<hbm>>
        %dma_wait3A_383 = tpu.memref_slice %arg2[%mul3A_2] : memref<1024xi32, #tpu.memory_space<hbm>> -> memref<256xi32, #tpu.memory_space<hbm>>
        tpu.wait_dma2 semaphore(%run_scoped3A : memref<!tpu.dma_semaphore, #tpu.memory_space<semaphore_mem>>) src(%dma_wait3A_383 : memref<256xi32, #tpu.memory_space<hbm>>) dst(%arg5 : memref<256xi32, #tpu.memory_space<vmem>>)
        tpu.yield
      }) : () -> ()
      %iota3A = tpu.iota {dimensions = array<i32: 0>} : vector<16xi32>
      %jit3A = arith.constant 4 : i32
      %div3A = vector.broadcast %jit3A : i32 to vector<16xi32>
      %div3A_3 = arith.divsi %iota3A, %div3A : vector<16xi32>
      %sign3A = arith.constant 0 : i32
      %sign3A_4 = vector.broadcast %sign3A : i32 to vector<16xi32>
      %sign3A_5 = arith.cmpi sgt, %iota3A, %sign3A_4 : vector<16xi32>
      %sign3A_6 = arith.extui %sign3A_5 : vector<16xi1> to vector<16xi32>
      %sign3A_7 = arith.constant 0 : i32
      %sign3A_8 = vector.broadcast %sign3A_7 : i32 to vector<16xi32>
      %sign3A_9 = arith.cmpi slt, %iota3A, %sign3A_8 : vector<16xi32>
      %sign3A_10 = arith.extui %sign3A_9 : vector<16xi1> to vector<16xi32>
      %sign3A_11 = arith.subi %sign3A_6, %sign3A_10 : vector<16xi32>
      %sign3A_12 = arith.constant 0 : i32
      %sign3A_13 = arith.cmpi sgt, %jit3A, %sign3A_12 : i32
      %sign3A_14 = arith.extui %sign3A_13 : i1 to i32
      %sign3A_15 = arith.constant 0 : i32
      %sign3A_16 = arith.cmpi slt, %jit3A, %sign3A_15 : i32
      %sign3A_17 = arith.extui %sign3A_16 : i1 to i32
      %sign3A_18 = arith.subi %sign3A_14, %sign3A_17 : i32
      %ne3A = vector.broadcast %sign3A_18 : i32 to vector<16xi32>
      %ne3A_19 = arith.cmpi ne, %sign3A_11, %ne3A : vector<16xi32>
      %rem3A = vector.broadcast %jit3A : i32 to vector<16xi32>
      %rem3A_20 = arith.remsi %iota3A, %rem3A : vector<16xi32>
      %ne3A_21 = arith.constant 0 : i32
      %ne3A_22 = vector.broadcast %ne3A_21 : i32 to vector<16xi32>
      %ne3A_23 = arith.cmpi ne, %rem3A_20, %ne3A_22 : vector<16xi32>
      %and3A = arith.andi %ne3A_19, %ne3A_23 : vector<16xi1>
      %sub3A = arith.constant 1 : i32
      %sub3A_24 = vector.broadcast %sub3A : i32 to vector<16xi32>
      %sub3A_25 = arith.subi %div3A_3, %sub3A_24 : vector<16xi32>
      %select_n3A = arith.select %and3A, %sub3A_25, %div3A_3 : vector<16xi1>, vector<16xi32>
      %jit3A_26 = arith.constant 4 : i32
      %eq3A = arith.constant 0 : i32
      %eq3A_27 = arith.cmpi eq, %jit3A_26, %eq3A : i32
      %jit3A_28 = arith.constant 1 : i32
      %select_n3A_29 = arith.select %eq3A_27, %jit3A_28, %jit3A_26 : i32
      %rem3A_30 = vector.broadcast %select_n3A_29 : i32 to vector<16xi32>
      %rem3A_31 = arith.remsi %iota3A, %rem3A_30 : vector<16xi32>
      %ne3A_32 = arith.constant 0 : i32
      %ne3A_33 = vector.broadcast %ne3A_32 : i32 to vector<16xi32>
      %ne3A_34 = arith.cmpi ne, %rem3A_31, %ne3A_33 : vector<16xi32>
      %lt3A_35 = arith.constant 0 : i32
      %lt3A_36 = vector.broadcast %lt3A_35 : i32 to vector<16xi32>
      %lt3A_37 = arith.cmpi slt, %rem3A_31, %lt3A_36 : vector<16xi32>
      %lt3A_38 = arith.constant 0 : i32
      %lt3A_39 = arith.cmpi slt, %select_n3A_29, %lt3A_38 : i32
      %ne3A_40 = vector.broadcast %lt3A_39 : i1 to vector<16xi1>
      %ne3A_41 = vector.broadcast %ne3A_40 : vector<16xi1> to vector<16xi1>
      %ne3A_42 = arith.xori %lt3A_37, %ne3A_41 : vector<16xi1>
      %and3A_43 = arith.andi %ne3A_42, %ne3A_34 : vector<16xi1>
      %add3A = vector.broadcast %select_n3A_29 : i32 to vector<16xi32>
      %add3A_44 = arith.addi %rem3A_31, %add3A : vector<16xi32>
      %select_n3A_45 = arith.select %and3A_43, %add3A_44, %rem3A_31 : vector<16xi1>, vector<16xi32>
      %broadcast_in_dim3A = arith.constant 6.250000e-02 : f32
      %broadcast_in_dim3A_46 = vector.broadcast %broadcast_in_dim3A : f32 to vector<16xf32>
      %mul3A_47 = arith.constant 4 : i32
      %mul3A_48 = vector.broadcast %mul3A_47 : i32 to vector<16xi32>
      %mul3A_49 = arith.muli %select_n3A, %mul3A_48 : vector<16xi32>
      %add3A_50 = arith.constant 0 : i32
      %add3A_51 = vector.broadcast %add3A_50 : i32 to vector<16xi32>
      %add3A_52 = arith.addi %mul3A_49, %add3A_51 : vector<16xi32>
      %mul3A_53 = arith.constant 16 : i32
      %mul3A_54 = vector.broadcast %mul3A_53 : i32 to vector<16xi32>
      %mul3A_55 = arith.muli %add3A_52, %mul3A_54 : vector<16xi32>
      %mul3A_56 = arith.constant 4 : i32
      %mul3A_57 = vector.broadcast %mul3A_56 : i32 to vector<16xi32>
      %mul3A_58 = arith.muli %select_n3A_45, %mul3A_57 : vector<16xi32>
      %add3A_59 = arith.addi %mul3A_55, %mul3A_58 : vector<16xi32>
      %add3A_60 = arith.constant 0 : i32
      %add3A_61 = vector.broadcast %add3A_60 : i32 to vector<16xi32>
      %add3A_62 = arith.addi %add3A_59, %add3A_61 : vector<16xi32>
      %gather3A = tpu.vector_load_idx %arg5[%add3A_62] : memref<256xi32, #tpu.memory_space<vmem>>[vector<16xi32>], vector<16xi32>,
      %mul3A_63 = arith.constant 513 : i32
      %mul3A_64 = vector.broadcast %mul3A_63 : i32 to vector<16xi32>
      %mul3A_65 = arith.muli %iota3A, %mul3A_64 : vector<16xi32>
      %add3A_66 = arith.addi %mul3A_65, %gather3A : vector<16xi32>
      tpu.vector_store_idx %arg6[%add3A_66], %broadcast_in_dim3A_46 {add = true} : memref<8208xf32, #tpu.memory_space<vmem>>[vector<16xi32>], vector<16xf32>,
      %mul3A_67 = arith.constant 4 : i32
      %mul3A_68 = vector.broadcast %mul3A_67 : i32 to vector<16xi32>
      %mul3A_69 = arith.muli %select_n3A, %mul3A_68 : vector<16xi32>
      %add3A_70 = arith.constant 0 : i32
      %add3A_71 = vector.broadcast %add3A_70 : i32 to vector<16xi32>
      %add3A_72 = arith.addi %mul3A_69, %add3A_71 : vector<16xi32>
      %mul3A_73 = arith.constant 16 : i32
      %mul3A_74 = vector.broadcast %mul3A_73 : i32 to vector<16xi32>
      %mul3A_75 = arith.muli %add3A_72, %mul3A_74 : vector<16xi32>
      %mul3A_76 = arith.constant 4 : i32
      %mul3A_77 = vector.broadcast %mul3A_76 : i32 to vector<16xi32>
      %mul3A_78 = arith.muli %select_n3A_45, %mul3A_77 : vector<16xi32>
      %add3A_79 = arith.addi %mul3A_75, %mul3A_78 : vector<16xi32>
      %add3A_80 = arith.constant 1 : i32
      %add3A_81 = vector.broadcast %add3A_80 : i32 to vector<16xi32>
      %add3A_82 = arith.addi %add3A_79, %add3A_81 : vector<16xi32>
      %gather3A_83 = tpu.vector_load_idx %arg5[%add3A_82] : memref<256xi32, #tpu.memory_space<vmem>>[vector<16xi32>], vector<16xi32>,
      %mul3A_84 = arith.constant 513 : i32
      %mul3A_85 = vector.broadcast %mul3A_84 : i32 to vector<16xi32>
      %mul3A_86 = arith.muli %iota3A, %mul3A_85 : vector<16xi32>
      %add3A_87 = arith.addi %mul3A_86, %gather3A_83 : vector<16xi32>
      tpu.vector_store_idx %arg6[%add3A_87], %broadcast_in_dim3A_46 {add = true} : memref<8208xf32, #tpu.memory_space<vmem>>[vector<16xi32>], vector<16xf32>,
      %mul3A_88 = arith.constant 4 : i32
      %mul3A_89 = vector.broadcast %mul3A_88 : i32 to vector<16xi32>
      %mul3A_90 = arith.muli %select_n3A, %mul3A_89 : vector<16xi32>
      %add3A_91 = arith.constant 0 : i32
      %add3A_92 = vector.broadcast %add3A_91 : i32 to vector<16xi32>
      %add3A_93 = arith.addi %mul3A_90, %add3A_92 : vector<16xi32>
      %mul3A_94 = arith.constant 16 : i32
      %mul3A_95 = vector.broadcast %mul3A_94 : i32 to vector<16xi32>
      %mul3A_96 = arith.muli %add3A_93, %mul3A_95 : vector<16xi32>
      %mul3A_97 = arith.constant 4 : i32
      %mul3A_98 = vector.broadcast %mul3A_97 : i32 to vector<16xi32>
      %mul3A_99 = arith.muli %select_n3A_45, %mul3A_98 : vector<16xi32>
      %add3A_100 = arith.addi %mul3A_96, %mul3A_99 : vector<16xi32>
      %add3A_101 = arith.constant 2 : i32
      %add3A_102 = vector.broadcast %add3A_101 : i32 to vector<16xi32>
      %add3A_103 = arith.addi %add3A_100, %add3A_102 : vector<16xi32>
      %gather3A_104 = tpu.vector_load_idx %arg5[%add3A_103] : memref<256xi32, #tpu.memory_space<vmem>>[vector<16xi32>], vector<16xi32>,
      %mul3A_105 = arith.constant 513 : i32
      %mul3A_106 = vector.broadcast %mul3A_105 : i32 to vector<16xi32>
      %mul3A_107 = arith.muli %iota3A, %mul3A_106 : vector<16xi32>
      %add3A_108 = arith.addi %mul3A_107, %gather3A_104 : vector<16xi32>
      tpu.vector_store_idx %arg6[%add3A_108], %broadcast_in_dim3A_46 {add = true} : memref<8208xf32, #tpu.memory_space<vmem>>[vector<16xi32>], vector<16xf32>,
      %mul3A_109 = arith.constant 4 : i32
      %mul3A_110 = vector.broadcast %mul3A_109 : i32 to vector<16xi32>
      %mul3A_111 = arith.muli %select_n3A, %mul3A_110 : vector<16xi32>
      %add3A_112 = arith.constant 0 : i32
      %add3A_113 = vector.broadcast %add3A_112 : i32 to vector<16xi32>
      %add3A_114 = arith.addi %mul3A_111, %add3A_113 : vector<16xi32>
      %mul3A_115 = arith.constant 16 : i32
      %mul3A_116 = vector.broadcast %mul3A_115 : i32 to vector<16xi32>
      %mul3A_117 = arith.muli %add3A_114, %mul3A_116 : vector<16xi32>
      %mul3A_118 = arith.constant 4 : i32
      %mul3A_119 = vector.broadcast %mul3A_118 : i32 to vector<16xi32>
      %mul3A_120 = arith.muli %select_n3A_45, %mul3A_119 : vector<16xi32>
      %add3A_121 = arith.addi %mul3A_117, %mul3A_120 : vector<16xi32>
      %add3A_122 = arith.constant 3 : i32
      %add3A_123 = vector.broadcast %add3A_122 : i32 to vector<16xi32>
      %add3A_124 = arith.addi %add3A_121, %add3A_123 : vector<16xi32>
      %gather3A_125 = tpu.vector_load_idx %arg5[%add3A_124] : memref<256xi32, #tpu.memory_space<vmem>>[vector<16xi32>], vector<16xi32>,
      %mul3A_126 = arith.constant 513 : i32
      %mul3A_127 = vector.broadcast %mul3A_126 : i32 to vector<16xi32>
      %mul3A_128 = arith.muli %iota3A, %mul3A_127 : vector<16xi32>
      %add3A_129 = arith.addi %mul3A_128, %gather3A_125 : vector<16xi32>
      tpu.vector_store_idx %arg6[%add3A_129], %broadcast_in_dim3A_46 {add = true} : memref<8208xf32, #tpu.memory_space<vmem>>[vector<16xi32>], vector<16xf32>,
      %mul3A_130 = arith.constant 4 : i32
      %mul3A_131 = vector.broadcast %mul3A_130 : i32 to vector<16xi32>
      %mul3A_132 = arith.muli %select_n3A, %mul3A_131 : vector<16xi32>
      %add3A_133 = arith.constant 1 : i32
      %add3A_134 = vector.broadcast %add3A_133 : i32 to vector<16xi32>
      %add3A_135 = arith.addi %mul3A_132, %add3A_134 : vector<16xi32>
      %mul3A_136 = arith.constant 16 : i32
      %mul3A_137 = vector.broadcast %mul3A_136 : i32 to vector<16xi32>
      %mul3A_138 = arith.muli %add3A_135, %mul3A_137 : vector<16xi32>
      %mul3A_139 = arith.constant 4 : i32
      %mul3A_140 = vector.broadcast %mul3A_139 : i32 to vector<16xi32>
      %mul3A_141 = arith.muli %select_n3A_45, %mul3A_140 : vector<16xi32>
      %add3A_142 = arith.addi %mul3A_138, %mul3A_141 : vector<16xi32>
      %add3A_143 = arith.constant 0 : i32
      %add3A_144 = vector.broadcast %add3A_143 : i32 to vector<16xi32>
      %add3A_145 = arith.addi %add3A_142, %add3A_144 : vector<16xi32>
      %gather3A_146 = tpu.vector_load_idx %arg5[%add3A_145] : memref<256xi32, #tpu.memory_space<vmem>>[vector<16xi32>], vector<16xi32>,
      %mul3A_147 = arith.constant 513 : i32
      %mul3A_148 = vector.broadcast %mul3A_147 : i32 to vector<16xi32>
      %mul3A_149 = arith.muli %iota3A, %mul3A_148 : vector<16xi32>
      %add3A_150 = arith.addi %mul3A_149, %gather3A_146 : vector<16xi32>
      tpu.vector_store_idx %arg6[%add3A_150], %broadcast_in_dim3A_46 {add = true} : memref<8208xf32, #tpu.memory_space<vmem>>[vector<16xi32>], vector<16xf32>,
      %mul3A_151 = arith.constant 4 : i32
      %mul3A_152 = vector.broadcast %mul3A_151 : i32 to vector<16xi32>
      %mul3A_153 = arith.muli %select_n3A, %mul3A_152 : vector<16xi32>
      %add3A_154 = arith.constant 1 : i32
      %add3A_155 = vector.broadcast %add3A_154 : i32 to vector<16xi32>
      %add3A_156 = arith.addi %mul3A_153, %add3A_155 : vector<16xi32>
      %mul3A_157 = arith.constant 16 : i32
      %mul3A_158 = vector.broadcast %mul3A_157 : i32 to vector<16xi32>
      %mul3A_159 = arith.muli %add3A_156, %mul3A_158 : vector<16xi32>
      %mul3A_160 = arith.constant 4 : i32
      %mul3A_161 = vector.broadcast %mul3A_160 : i32 to vector<16xi32>
      %mul3A_162 = arith.muli %select_n3A_45, %mul3A_161 : vector<16xi32>
      %add3A_163 = arith.addi %mul3A_159, %mul3A_162 : vector<16xi32>
      %add3A_164 = arith.constant 1 : i32
      %add3A_165 = vector.broadcast %add3A_164 : i32 to vector<16xi32>
      %add3A_166 = arith.addi %add3A_163, %add3A_165 : vector<16xi32>
      %gather3A_167 = tpu.vector_load_idx %arg5[%add3A_166] : memref<256xi32, #tpu.memory_space<vmem>>[vector<16xi32>], vector<16xi32>,
      %mul3A_168 = arith.constant 513 : i32
      %mul3A_169 = vector.broadcast %mul3A_168 : i32 to vector<16xi32>
      %mul3A_170 = arith.muli %iota3A, %mul3A_169 : vector<16xi32>
      %add3A_171 = arith.addi %mul3A_170, %gather3A_167 : vector<16xi32>
      tpu.vector_store_idx %arg6[%add3A_171], %broadcast_in_dim3A_46 {add = true} : memref<8208xf32, #tpu.memory_space<vmem>>[vector<16xi32>], vector<16xf32>,
      %mul3A_172 = arith.constant 4 : i32
      %mul3A_173 = vector.broadcast %mul3A_172 : i32 to vector<16xi32>
      %mul3A_174 = arith.muli %select_n3A, %mul3A_173 : vector<16xi32>
      %add3A_175 = arith.constant 1 : i32
      %add3A_176 = vector.broadcast %add3A_175 : i32 to vector<16xi32>
      %add3A_177 = arith.addi %mul3A_174, %add3A_176 : vector<16xi32>
      %mul3A_178 = arith.constant 16 : i32
      %mul3A_179 = vector.broadcast %mul3A_178 : i32 to vector<16xi32>
      %mul3A_180 = arith.muli %add3A_177, %mul3A_179 : vector<16xi32>
      %mul3A_181 = arith.constant 4 : i32
      %mul3A_182 = vector.broadcast %mul3A_181 : i32 to vector<16xi32>
      %mul3A_183 = arith.muli %select_n3A_45, %mul3A_182 : vector<16xi32>
      %add3A_184 = arith.addi %mul3A_180, %mul3A_183 : vector<16xi32>
      %add3A_185 = arith.constant 2 : i32
      %add3A_186 = vector.broadcast %add3A_185 : i32 to vector<16xi32>
      %add3A_187 = arith.addi %add3A_184, %add3A_186 : vector<16xi32>
      %gather3A_188 = tpu.vector_load_idx %arg5[%add3A_187] : memref<256xi32, #tpu.memory_space<vmem>>[vector<16xi32>], vector<16xi32>,
      %mul3A_189 = arith.constant 513 : i32
      %mul3A_190 = vector.broadcast %mul3A_189 : i32 to vector<16xi32>
      %mul3A_191 = arith.muli %iota3A, %mul3A_190 : vector<16xi32>
      %add3A_192 = arith.addi %mul3A_191, %gather3A_188 : vector<16xi32>
      tpu.vector_store_idx %arg6[%add3A_192], %broadcast_in_dim3A_46 {add = true} : memref<8208xf32, #tpu.memory_space<vmem>>[vector<16xi32>], vector<16xf32>,
      %mul3A_193 = arith.constant 4 : i32
      %mul3A_194 = vector.broadcast %mul3A_193 : i32 to vector<16xi32>
      %mul3A_195 = arith.muli %select_n3A, %mul3A_194 : vector<16xi32>
      %add3A_196 = arith.constant 1 : i32
      %add3A_197 = vector.broadcast %add3A_196 : i32 to vector<16xi32>
      %add3A_198 = arith.addi %mul3A_195, %add3A_197 : vector<16xi32>
      %mul3A_199 = arith.constant 16 : i32
      %mul3A_200 = vector.broadcast %mul3A_199 : i32 to vector<16xi32>
      %mul3A_201 = arith.muli %add3A_198, %mul3A_200 : vector<16xi32>
      %mul3A_202 = arith.constant 4 : i32
      %mul3A_203 = vector.broadcast %mul3A_202 : i32 to vector<16xi32>
      %mul3A_204 = arith.muli %select_n3A_45, %mul3A_203 : vector<16xi32>
      %add3A_205 = arith.addi %mul3A_201, %mul3A_204 : vector<16xi32>
      %add3A_206 = arith.constant 3 : i32
      %add3A_207 = vector.broadcast %add3A_206 : i32 to vector<16xi32>
      %add3A_208 = arith.addi %add3A_205, %add3A_207 : vector<16xi32>
      %gather3A_209 = tpu.vector_load_idx %arg5[%add3A_208] : memref<256xi32, #tpu.memory_space<vmem>>[vector<16xi32>], vector<16xi32>,
      %mul3A_210 = arith.constant 513 : i32
      %mul3A_211 = vector.broadcast %mul3A_210 : i32 to vector<16xi32>
      %mul3A_212 = arith.muli %iota3A, %mul3A_211 : vector<16xi32>
      %add3A_213 = arith.addi %mul3A_212, %gather3A_209 : vector<16xi32>
      tpu.vector_store_idx %arg6[%add3A_213], %broadcast_in_dim3A_46 {add = true} : memref<8208xf32, #tpu.memory_space<vmem>>[vector<16xi32>], vector<16xf32>,
      %mul3A_214 = arith.constant 4 : i32
      %mul3A_215 = vector.broadcast %mul3A_214 : i32 to vector<16xi32>
      %mul3A_216 = arith.muli %select_n3A, %mul3A_215 : vector<16xi32>
      %add3A_217 = arith.constant 2 : i32
      %add3A_218 = vector.broadcast %add3A_217 : i32 to vector<16xi32>
      %add3A_219 = arith.addi %mul3A_216, %add3A_218 : vector<16xi32>
      %mul3A_220 = arith.constant 16 : i32
      %mul3A_221 = vector.broadcast %mul3A_220 : i32 to vector<16xi32>
      %mul3A_222 = arith.muli %add3A_219, %mul3A_221 : vector<16xi32>
      %mul3A_223 = arith.constant 4 : i32
      %mul3A_224 = vector.broadcast %mul3A_223 : i32 to vector<16xi32>
      %mul3A_225 = arith.muli %select_n3A_45, %mul3A_224 : vector<16xi32>
      %add3A_226 = arith.addi %mul3A_222, %mul3A_225 : vector<16xi32>
      %add3A_227 = arith.constant 0 : i32
      %add3A_228 = vector.broadcast %add3A_227 : i32 to vector<16xi32>
      %add3A_229 = arith.addi %add3A_226, %add3A_228 : vector<16xi32>
      %gather3A_230 = tpu.vector_load_idx %arg5[%add3A_229] : memref<256xi32, #tpu.memory_space<vmem>>[vector<16xi32>], vector<16xi32>,
      %mul3A_231 = arith.constant 513 : i32
      %mul3A_232 = vector.broadcast %mul3A_231 : i32 to vector<16xi32>
      %mul3A_233 = arith.muli %iota3A, %mul3A_232 : vector<16xi32>
      %add3A_234 = arith.addi %mul3A_233, %gather3A_230 : vector<16xi32>
      tpu.vector_store_idx %arg6[%add3A_234], %broadcast_in_dim3A_46 {add = true} : memref<8208xf32, #tpu.memory_space<vmem>>[vector<16xi32>], vector<16xf32>,
      %mul3A_235 = arith.constant 4 : i32
      %mul3A_236 = vector.broadcast %mul3A_235 : i32 to vector<16xi32>
      %mul3A_237 = arith.muli %select_n3A, %mul3A_236 : vector<16xi32>
      %add3A_238 = arith.constant 2 : i32
      %add3A_239 = vector.broadcast %add3A_238 : i32 to vector<16xi32>
      %add3A_240 = arith.addi %mul3A_237, %add3A_239 : vector<16xi32>
      %mul3A_241 = arith.constant 16 : i32
      %mul3A_242 = vector.broadcast %mul3A_241 : i32 to vector<16xi32>
      %mul3A_243 = arith.muli %add3A_240, %mul3A_242 : vector<16xi32>
      %mul3A_244 = arith.constant 4 : i32
      %mul3A_245 = vector.broadcast %mul3A_244 : i32 to vector<16xi32>
      %mul3A_246 = arith.muli %select_n3A_45, %mul3A_245 : vector<16xi32>
      %add3A_247 = arith.addi %mul3A_243, %mul3A_246 : vector<16xi32>
      %add3A_248 = arith.constant 1 : i32
      %add3A_249 = vector.broadcast %add3A_248 : i32 to vector<16xi32>
      %add3A_250 = arith.addi %add3A_247, %add3A_249 : vector<16xi32>
      %gather3A_251 = tpu.vector_load_idx %arg5[%add3A_250] : memref<256xi32, #tpu.memory_space<vmem>>[vector<16xi32>], vector<16xi32>,
      %mul3A_252 = arith.constant 513 : i32
      %mul3A_253 = vector.broadcast %mul3A_252 : i32 to vector<16xi32>
      %mul3A_254 = arith.muli %iota3A, %mul3A_253 : vector<16xi32>
      %add3A_255 = arith.addi %mul3A_254, %gather3A_251 : vector<16xi32>
      tpu.vector_store_idx %arg6[%add3A_255], %broadcast_in_dim3A_46 {add = true} : memref<8208xf32, #tpu.memory_space<vmem>>[vector<16xi32>], vector<16xf32>,
      %mul3A_256 = arith.constant 4 : i32
      %mul3A_257 = vector.broadcast %mul3A_256 : i32 to vector<16xi32>
      %mul3A_258 = arith.muli %select_n3A, %mul3A_257 : vector<16xi32>
      %add3A_259 = arith.constant 2 : i32
      %add3A_260 = vector.broadcast %add3A_259 : i32 to vector<16xi32>
      %add3A_261 = arith.addi %mul3A_258, %add3A_260 : vector<16xi32>
      %mul3A_262 = arith.constant 16 : i32
      %mul3A_263 = vector.broadcast %mul3A_262 : i32 to vector<16xi32>
      %mul3A_264 = arith.muli %add3A_261, %mul3A_263 : vector<16xi32>
      %mul3A_265 = arith.constant 4 : i32
      %mul3A_266 = vector.broadcast %mul3A_265 : i32 to vector<16xi32>
      %mul3A_267 = arith.muli %select_n3A_45, %mul3A_266 : vector<16xi32>
      %add3A_268 = arith.addi %mul3A_264, %mul3A_267 : vector<16xi32>
      %add3A_269 = arith.constant 2 : i32
      %add3A_270 = vector.broadcast %add3A_269 : i32 to vector<16xi32>
      %add3A_271 = arith.addi %add3A_268, %add3A_270 : vector<16xi32>
      %gather3A_272 = tpu.vector_load_idx %arg5[%add3A_271] : memref<256xi32, #tpu.memory_space<vmem>>[vector<16xi32>], vector<16xi32>,
      %mul3A_273 = arith.constant 513 : i32
      %mul3A_274 = vector.broadcast %mul3A_273 : i32 to vector<16xi32>
      %mul3A_275 = arith.muli %iota3A, %mul3A_274 : vector<16xi32>
      %add3A_276 = arith.addi %mul3A_275, %gather3A_272 : vector<16xi32>
      tpu.vector_store_idx %arg6[%add3A_276], %broadcast_in_dim3A_46 {add = true} : memref<8208xf32, #tpu.memory_space<vmem>>[vector<16xi32>], vector<16xf32>,
      %mul3A_277 = arith.constant 4 : i32
      %mul3A_278 = vector.broadcast %mul3A_277 : i32 to vector<16xi32>
      %mul3A_279 = arith.muli %select_n3A, %mul3A_278 : vector<16xi32>
      %add3A_280 = arith.constant 2 : i32
      %add3A_281 = vector.broadcast %add3A_280 : i32 to vector<16xi32>
      %add3A_282 = arith.addi %mul3A_279, %add3A_281 : vector<16xi32>
      %mul3A_283 = arith.constant 16 : i32
      %mul3A_284 = vector.broadcast %mul3A_283 : i32 to vector<16xi32>
      %mul3A_285 = arith.muli %add3A_282, %mul3A_284 : vector<16xi32>
      %mul3A_286 = arith.constant 4 : i32
      %mul3A_287 = vector.broadcast %mul3A_286 : i32 to vector<16xi32>
      %mul3A_288 = arith.muli %select_n3A_45, %mul3A_287 : vector<16xi32>
      %add3A_289 = arith.addi %mul3A_285, %mul3A_288 : vector<16xi32>
      %add3A_290 = arith.constant 3 : i32
      %add3A_291 = vector.broadcast %add3A_290 : i32 to vector<16xi32>
      %add3A_292 = arith.addi %add3A_289, %add3A_291 : vector<16xi32>
      %gather3A_293 = tpu.vector_load_idx %arg5[%add3A_292] : memref<256xi32, #tpu.memory_space<vmem>>[vector<16xi32>], vector<16xi32>,
      %mul3A_294 = arith.constant 513 : i32
      %mul3A_295 = vector.broadcast %mul3A_294 : i32 to vector<16xi32>
      %mul3A_296 = arith.muli %iota3A, %mul3A_295 : vector<16xi32>
      %add3A_297 = arith.addi %mul3A_296, %gather3A_293 : vector<16xi32>
      tpu.vector_store_idx %arg6[%add3A_297], %broadcast_in_dim3A_46 {add = true} : memref<8208xf32, #tpu.memory_space<vmem>>[vector<16xi32>], vector<16xf32>,
      %mul3A_298 = arith.constant 4 : i32
      %mul3A_299 = vector.broadcast %mul3A_298 : i32 to vector<16xi32>
      %mul3A_300 = arith.muli %select_n3A, %mul3A_299 : vector<16xi32>
      %add3A_301 = arith.constant 3 : i32
      %add3A_302 = vector.broadcast %add3A_301 : i32 to vector<16xi32>
      %add3A_303 = arith.addi %mul3A_300, %add3A_302 : vector<16xi32>
      %mul3A_304 = arith.constant 16 : i32
      %mul3A_305 = vector.broadcast %mul3A_304 : i32 to vector<16xi32>
      %mul3A_306 = arith.muli %add3A_303, %mul3A_305 : vector<16xi32>
      %mul3A_307 = arith.constant 4 : i32
      %mul3A_308 = vector.broadcast %mul3A_307 : i32 to vector<16xi32>
      %mul3A_309 = arith.muli %select_n3A_45, %mul3A_308 : vector<16xi32>
      %add3A_310 = arith.addi %mul3A_306, %mul3A_309 : vector<16xi32>
      %add3A_311 = arith.constant 0 : i32
      %add3A_312 = vector.broadcast %add3A_311 : i32 to vector<16xi32>
      %add3A_313 = arith.addi %add3A_310, %add3A_312 : vector<16xi32>
      %gather3A_314 = tpu.vector_load_idx %arg5[%add3A_313] : memref<256xi32, #tpu.memory_space<vmem>>[vector<16xi32>], vector<16xi32>,
      %mul3A_315 = arith.constant 513 : i32
      %mul3A_316 = vector.broadcast %mul3A_315 : i32 to vector<16xi32>
      %mul3A_317 = arith.muli %iota3A, %mul3A_316 : vector<16xi32>
      %add3A_318 = arith.addi %mul3A_317, %gather3A_314 : vector<16xi32>
      tpu.vector_store_idx %arg6[%add3A_318], %broadcast_in_dim3A_46 {add = true} : memref<8208xf32, #tpu.memory_space<vmem>>[vector<16xi32>], vector<16xf32>,
      %mul3A_319 = arith.constant 4 : i32
      %mul3A_320 = vector.broadcast %mul3A_319 : i32 to vector<16xi32>
      %mul3A_321 = arith.muli %select_n3A, %mul3A_320 : vector<16xi32>
      %add3A_322 = arith.constant 3 : i32
      %add3A_323 = vector.broadcast %add3A_322 : i32 to vector<16xi32>
      %add3A_324 = arith.addi %mul3A_321, %add3A_323 : vector<16xi32>
      %mul3A_325 = arith.constant 16 : i32
      %mul3A_326 = vector.broadcast %mul3A_325 : i32 to vector<16xi32>
      %mul3A_327 = arith.muli %add3A_324, %mul3A_326 : vector<16xi32>
      %mul3A_328 = arith.constant 4 : i32
      %mul3A_329 = vector.broadcast %mul3A_328 : i32 to vector<16xi32>
      %mul3A_330 = arith.muli %select_n3A_45, %mul3A_329 : vector<16xi32>
      %add3A_331 = arith.addi %mul3A_327, %mul3A_330 : vector<16xi32>
      %add3A_332 = arith.constant 1 : i32
      %add3A_333 = vector.broadcast %add3A_332 : i32 to vector<16xi32>
      %add3A_334 = arith.addi %add3A_331, %add3A_333 : vector<16xi32>
      %gather3A_335 = tpu.vector_load_idx %arg5[%add3A_334] : memref<256xi32, #tpu.memory_space<vmem>>[vector<16xi32>], vector<16xi32>,
      %mul3A_336 = arith.constant 513 : i32
      %mul3A_337 = vector.broadcast %mul3A_336 : i32 to vector<16xi32>
      %mul3A_338 = arith.muli %iota3A, %mul3A_337 : vector<16xi32>
      %add3A_339 = arith.addi %mul3A_338, %gather3A_335 : vector<16xi32>
      tpu.vector_store_idx %arg6[%add3A_339], %broadcast_in_dim3A_46 {add = true} : memref<8208xf32, #tpu.memory_space<vmem>>[vector<16xi32>], vector<16xf32>,
      %mul3A_340 = arith.constant 4 : i32
      %mul3A_341 = vector.broadcast %mul3A_340 : i32 to vector<16xi32>
      %mul3A_342 = arith.muli %select_n3A, %mul3A_341 : vector<16xi32>
      %add3A_343 = arith.constant 3 : i32
      %add3A_344 = vector.broadcast %add3A_343 : i32 to vector<16xi32>
      %add3A_345 = arith.addi %mul3A_342, %add3A_344 : vector<16xi32>
      %mul3A_346 = arith.constant 16 : i32
      %mul3A_347 = vector.broadcast %mul3A_346 : i32 to vector<16xi32>
      %mul3A_348 = arith.muli %add3A_345, %mul3A_347 : vector<16xi32>
      %mul3A_349 = arith.constant 4 : i32
      %mul3A_350 = vector.broadcast %mul3A_349 : i32 to vector<16xi32>
      %mul3A_351 = arith.muli %select_n3A_45, %mul3A_350 : vector<16xi32>
      %add3A_352 = arith.addi %mul3A_348, %mul3A_351 : vector<16xi32>
      %add3A_353 = arith.constant 2 : i32
      %add3A_354 = vector.broadcast %add3A_353 : i32 to vector<16xi32>
      %add3A_355 = arith.addi %add3A_352, %add3A_354 : vector<16xi32>
      %gather3A_356 = tpu.vector_load_idx %arg5[%add3A_355] : memref<256xi32, #tpu.memory_space<vmem>>[vector<16xi32>], vector<16xi32>,
      %mul3A_357 = arith.constant 513 : i32
      %mul3A_358 = vector.broadcast %mul3A_357 : i32 to vector<16xi32>
      %mul3A_359 = arith.muli %iota3A, %mul3A_358 : vector<16xi32>
      %add3A_360 = arith.addi %mul3A_359, %gather3A_356 : vector<16xi32>
      tpu.vector_store_idx %arg6[%add3A_360], %broadcast_in_dim3A_46 {add = true} : memref<8208xf32, #tpu.memory_space<vmem>>[vector<16xi32>], vector<16xf32>,
      %mul3A_361 = arith.constant 4 : i32
      %mul3A_362 = vector.broadcast %mul3A_361 : i32 to vector<16xi32>
      %mul3A_363 = arith.muli %select_n3A, %mul3A_362 : vector<16xi32>
      %add3A_364 = arith.constant 3 : i32
      %add3A_365 = vector.broadcast %add3A_364 : i32 to vector<16xi32>
      %add3A_366 = arith.addi %mul3A_363, %add3A_365 : vector<16xi32>
      %mul3A_367 = arith.constant 16 : i32
      %mul3A_368 = vector.broadcast %mul3A_367 : i32 to vector<16xi32>
      %mul3A_369 = arith.muli %add3A_366, %mul3A_368 : vector<16xi32>
      %mul3A_370 = arith.constant 4 : i32
      %mul3A_371 = vector.broadcast %mul3A_370 : i32 to vector<16xi32>
      %mul3A_372 = arith.muli %select_n3A_45, %mul3A_371 : vector<16xi32>
      %add3A_373 = arith.addi %mul3A_369, %mul3A_372 : vector<16xi32>
      %add3A_374 = arith.constant 3 : i32
      %add3A_375 = vector.broadcast %add3A_374 : i32 to vector<16xi32>
      %add3A_376 = arith.addi %add3A_373, %add3A_375 : vector<16xi32>
      %gather3A_377 = tpu.vector_load_idx %arg5[%add3A_376] : memref<256xi32, #tpu.memory_space<vmem>>[vector<16xi32>], vector<16xi32>,
      %mul3A_378 = arith.constant 513 : i32
      %mul3A_379 = vector.broadcast %mul3A_378 : i32 to vector<16xi32>
      %mul3A_380 = arith.muli %iota3A, %mul3A_379 : vector<16xi32>
      %add3A_381 = arith.addi %mul3A_380, %gather3A_377 : vector<16xi32>
      tpu.vector_store_idx %arg6[%add3A_381], %broadcast_in_dim3A_46 {add = true} : memref<8208xf32, #tpu.memory_space<vmem>>[vector<16xi32>], vector<16xf32>,
      "tpu.region"() ({
        %run_scoped3A = tpu.sem_alloc : memref<!tpu.dma_semaphore, #tpu.memory_space<semaphore_mem>>
        %dma_start3A = arith.constant 0 : i32
        %dma_start3A_382 = tpu.memref_slice %arg4[%arg1, %dma_start3A] : memref<4x8208xf32, #tpu.memory_space<hbm>> -> memref<1x8208xf32, #tpu.memory_space<hbm>>
        %dma_start3A_383 = tpu.memref_squeeze %dma_start3A_382 : memref<1x8208xf32, #tpu.memory_space<hbm>> -> memref<8208xf32, #tpu.memory_space<hbm>>
        %dma_start3A_384 = arith.constant 0 : i32
        %dma_start3A_385 = tpu.memref_slice %arg4[%arg1, %dma_start3A_384] : memref<4x8208xf32, #tpu.memory_space<hbm>> -> memref<1x8208xf32, #tpu.memory_space<hbm>>
        %dma_start3A_386 = tpu.memref_squeeze %dma_start3A_385 : memref<1x8208xf32, #tpu.memory_space<hbm>> -> memref<8208xf32, #tpu.memory_space<hbm>>
        tpu.enqueue_dma source(%arg6 : memref<8208xf32, #tpu.memory_space<vmem>>) target(%dma_start3A_386 : memref<8208xf32, #tpu.memory_space<hbm>>) target_semaphore(%run_scoped3A : memref<!tpu.dma_semaphore, #tpu.memory_space<semaphore_mem>>)
        %dma_wait3A = arith.constant 0 : i32
        %dma_wait3A_387 = tpu.memref_slice %arg4[%arg1, %dma_wait3A] : memref<4x8208xf32, #tpu.memory_space<hbm>> -> memref<1x8208xf32, #tpu.memory_space<hbm>>
        %dma_wait3A_388 = tpu.memref_squeeze %dma_wait3A_387 : memref<1x8208xf32, #tpu.memory_space<hbm>> -> memref<8208xf32, #tpu.memory_space<hbm>>
        %dma_wait3A_389 = arith.constant 0 : i32
        %dma_wait3A_390 = tpu.memref_slice %arg4[%arg1, %dma_wait3A_389] : memref<4x8208xf32, #tpu.memory_space<hbm>> -> memref<1x8208xf32, #tpu.memory_space<hbm>>
        %dma_wait3A_391 = tpu.memref_squeeze %dma_wait3A_390 : memref<1x8208xf32, #tpu.memory_space<hbm>> -> memref<8208xf32, #tpu.memory_space<hbm>>
        tpu.wait_dma2 semaphore(%run_scoped3A : memref<!tpu.dma_semaphore, #tpu.memory_space<semaphore_mem>>) src(%arg6 : memref<8208xf32, #tpu.memory_space<vmem>>) dst(%dma_wait3A_391 : memref<8208xf32, #tpu.memory_space<hbm>>)
        tpu.yield
      }) : () -> ()
    } else {
    }
    return
  }
}

module attributes {stable_mosaic.version = 14 : i64} {
  func.func @_codes_body(%arg0: memref<384x256xf32, #tpu.memory_space<vmem>>, %arg1: memref<512x96xf32, #tpu.memory_space<vmem>>, %arg2: memref<4x256xi32, #tpu.memory_space<vmem>>) attributes {dimension_semantics = [], scalar_prefetch = 0 : i64, scratch_operands = 0 : i64, tpu.core_type = #tpu.core_type<tc>} {
    %get3A = arith.constant 0 : index
    %get3A_0 = arith.constant 0 : index
    %get3A_1 = vector.load %arg1[%get3A, %get3A_0] : memref<512x96xf32, #tpu.memory_space<vmem>>, vector<512x96xf32>
    %mul3A = arith.mulf %get3A_1, %get3A_1 : vector<512x96xf32>
    %reduce_sum3A = arith.constant dense<0.000000e+00> : vector<512xf32>
    %reduce_sum3A_2 = vector.multi_reduction <add>, %mul3A, %reduce_sum3A [1] : vector<512x96xf32> to vector<512xf32>
    %broadcast_in_dim3A = vector.shape_cast %reduce_sum3A_2 : vector<512xf32> to vector<512x1xf32>
    %get3A_3 = arith.constant 0 : index
    %get3A_4 = arith.constant 0 : index
    %get3A_5 = vector.load %arg0[%get3A_3, %get3A_4] : memref<384x256xf32, #tpu.memory_space<vmem>>, vector<96x256xf32>
    %dot_general3A = arith.constant dense<0.000000e+00> : vector<512x256xf32>
    %dot_general3A_6 = tpu.matmul %get3A_1, %get3A_5, %dot_general3A {dimension_numbers = #tpu.dot_dimension_numbers<[1], [0], [0], [1], [0, 0, 1, 1], [], []>, precision = #tpu.contract_precision<fp32>, transpose_lhs_hint = false} : vector<512x96xf32>, vector<96x256xf32>, vector<512x256xf32> -> vector<512x256xf32>
    %mul3A_7 = arith.constant 2.000000e+00 : f32
    %mul3A_8 = vector.broadcast %mul3A_7 : f32 to vector<512x256xf32>
    %mul3A_9 = arith.mulf %mul3A_8, %dot_general3A_6 : vector<512x256xf32>
    %sub3A = vector.broadcast %broadcast_in_dim3A : vector<512x1xf32> to vector<512x256xf32>
    %sub3A_10 = arith.subf %sub3A, %mul3A_9 : vector<512x256xf32>
    %reduce_min3A = arith.constant dense<0x7F800000> : vector<256xf32>
    %reduce_min3A_11 = vector.multi_reduction <minimumf>, %sub3A_10, %reduce_min3A [0] : vector<512x256xf32> to vector<256xf32>
    %broadcast_in_dim3A_12 = vector.shape_cast %reduce_min3A_11 : vector<256xf32> to vector<1x256xf32>
    %iota3A = tpu.iota {dimensions = array<i32: 0>} : vector<512x256xi32>
    %eq3A = vector.broadcast %broadcast_in_dim3A_12 : vector<1x256xf32> to vector<512x256xf32>
    %eq3A_13 = arith.cmpf oeq, %sub3A_10, %eq3A : vector<512x256xf32>
    %jit3A = arith.constant 512 : i32
    %broadcast_in_dim3A_14 = vector.broadcast %jit3A : i32 to vector<512x256xi32>
    %select_n3A = arith.select %eq3A_13, %iota3A, %broadcast_in_dim3A_14 : vector<512x256xi1>, vector<512x256xi32>
    %reduce_min3A_15 = arith.constant dense<2147483647> : vector<256xi32>
    %reduce_min3A_16 = vector.multi_reduction <minsi>, %select_n3A, %reduce_min3A_15 [0] : vector<512x256xi32> to vector<256xi32>
    %broadcast_in_dim3A_17 = vector.shape_cast %reduce_min3A_16 : vector<256xi32> to vector<1x256xi32>
    %add3A = arith.constant 1 : i32
    %add3A_18 = vector.broadcast %add3A : i32 to vector<1x256xi32>
    %add3A_19 = arith.addi %broadcast_in_dim3A_17, %add3A_18 : vector<1x256xi32>
    %swap3A = arith.constant 0 : index
    %swap3A_20 = arith.constant 0 : index
    %swap3A_21 = vector.load %arg2[%swap3A, %swap3A_20] : memref<4x256xi32, #tpu.memory_space<vmem>>, vector<1x256xi32>
    tpu.vector_store %arg2[%swap3A, %swap3A_20], %add3A_19 {strides = array<i32>} : memref<4x256xi32, #tpu.memory_space<vmem>>, vector<1x256xi32>,
    %get3A_22 = arith.constant 96 : index
    %get3A_23 = arith.constant 0 : index
    %get3A_24 = vector.load %arg0[%get3A_22, %get3A_23] : memref<384x256xf32, #tpu.memory_space<vmem>>, vector<96x256xf32>
    %dot_general3A_25 = arith.constant dense<0.000000e+00> : vector<512x256xf32>
    %dot_general3A_26 = tpu.matmul %get3A_1, %get3A_24, %dot_general3A_25 {dimension_numbers = #tpu.dot_dimension_numbers<[1], [0], [0], [1], [0, 0, 1, 1], [], []>, precision = #tpu.contract_precision<fp32>, transpose_lhs_hint = false} : vector<512x96xf32>, vector<96x256xf32>, vector<512x256xf32> -> vector<512x256xf32>
    %mul3A_27 = arith.constant 2.000000e+00 : f32
    %mul3A_28 = vector.broadcast %mul3A_27 : f32 to vector<512x256xf32>
    %mul3A_29 = arith.mulf %mul3A_28, %dot_general3A_26 : vector<512x256xf32>
    %sub3A_30 = vector.broadcast %broadcast_in_dim3A : vector<512x1xf32> to vector<512x256xf32>
    %sub3A_31 = arith.subf %sub3A_30, %mul3A_29 : vector<512x256xf32>
    %reduce_min3A_32 = arith.constant dense<0x7F800000> : vector<256xf32>
    %reduce_min3A_33 = vector.multi_reduction <minimumf>, %sub3A_31, %reduce_min3A_32 [0] : vector<512x256xf32> to vector<256xf32>
    %broadcast_in_dim3A_34 = vector.shape_cast %reduce_min3A_33 : vector<256xf32> to vector<1x256xf32>
    %iota3A_35 = tpu.iota {dimensions = array<i32: 0>} : vector<512x256xi32>
    %eq3A_36 = vector.broadcast %broadcast_in_dim3A_34 : vector<1x256xf32> to vector<512x256xf32>
    %eq3A_37 = arith.cmpf oeq, %sub3A_31, %eq3A_36 : vector<512x256xf32>
    %jit3A_38 = arith.constant 512 : i32
    %broadcast_in_dim3A_39 = vector.broadcast %jit3A_38 : i32 to vector<512x256xi32>
    %select_n3A_40 = arith.select %eq3A_37, %iota3A_35, %broadcast_in_dim3A_39 : vector<512x256xi1>, vector<512x256xi32>
    %reduce_min3A_41 = arith.constant dense<2147483647> : vector<256xi32>
    %reduce_min3A_42 = vector.multi_reduction <minsi>, %select_n3A_40, %reduce_min3A_41 [0] : vector<512x256xi32> to vector<256xi32>
    %broadcast_in_dim3A_43 = vector.shape_cast %reduce_min3A_42 : vector<256xi32> to vector<1x256xi32>
    %add3A_44 = arith.constant 1 : i32
    %add3A_45 = vector.broadcast %add3A_44 : i32 to vector<1x256xi32>
    %add3A_46 = arith.addi %broadcast_in_dim3A_43, %add3A_45 : vector<1x256xi32>
    %swap3A_47 = arith.constant 1 : index
    %swap3A_48 = arith.constant 0 : index
    %swap3A_49 = vector.load %arg2[%swap3A_47, %swap3A_48] : memref<4x256xi32, #tpu.memory_space<vmem>>, vector<1x256xi32>
    tpu.vector_store %arg2[%swap3A_47, %swap3A_48], %add3A_46 {strides = array<i32>} : memref<4x256xi32, #tpu.memory_space<vmem>>, vector<1x256xi32>,
    %get3A_50 = arith.constant 192 : index
    %get3A_51 = arith.constant 0 : index
    %get3A_52 = vector.load %arg0[%get3A_50, %get3A_51] : memref<384x256xf32, #tpu.memory_space<vmem>>, vector<96x256xf32>
    %dot_general3A_53 = arith.constant dense<0.000000e+00> : vector<512x256xf32>
    %dot_general3A_54 = tpu.matmul %get3A_1, %get3A_52, %dot_general3A_53 {dimension_numbers = #tpu.dot_dimension_numbers<[1], [0], [0], [1], [0, 0, 1, 1], [], []>, precision = #tpu.contract_precision<fp32>, transpose_lhs_hint = false} : vector<512x96xf32>, vector<96x256xf32>, vector<512x256xf32> -> vector<512x256xf32>
    %mul3A_55 = arith.constant 2.000000e+00 : f32
    %mul3A_56 = vector.broadcast %mul3A_55 : f32 to vector<512x256xf32>
    %mul3A_57 = arith.mulf %mul3A_56, %dot_general3A_54 : vector<512x256xf32>
    %sub3A_58 = vector.broadcast %broadcast_in_dim3A : vector<512x1xf32> to vector<512x256xf32>
    %sub3A_59 = arith.subf %sub3A_58, %mul3A_57 : vector<512x256xf32>
    %reduce_min3A_60 = arith.constant dense<0x7F800000> : vector<256xf32>
    %reduce_min3A_61 = vector.multi_reduction <minimumf>, %sub3A_59, %reduce_min3A_60 [0] : vector<512x256xf32> to vector<256xf32>
    %broadcast_in_dim3A_62 = vector.shape_cast %reduce_min3A_61 : vector<256xf32> to vector<1x256xf32>
    %iota3A_63 = tpu.iota {dimensions = array<i32: 0>} : vector<512x256xi32>
    %eq3A_64 = vector.broadcast %broadcast_in_dim3A_62 : vector<1x256xf32> to vector<512x256xf32>
    %eq3A_65 = arith.cmpf oeq, %sub3A_59, %eq3A_64 : vector<512x256xf32>
    %jit3A_66 = arith.constant 512 : i32
    %broadcast_in_dim3A_67 = vector.broadcast %jit3A_66 : i32 to vector<512x256xi32>
    %select_n3A_68 = arith.select %eq3A_65, %iota3A_63, %broadcast_in_dim3A_67 : vector<512x256xi1>, vector<512x256xi32>
    %reduce_min3A_69 = arith.constant dense<2147483647> : vector<256xi32>
    %reduce_min3A_70 = vector.multi_reduction <minsi>, %select_n3A_68, %reduce_min3A_69 [0] : vector<512x256xi32> to vector<256xi32>
    %broadcast_in_dim3A_71 = vector.shape_cast %reduce_min3A_70 : vector<256xi32> to vector<1x256xi32>
    %add3A_72 = arith.constant 1 : i32
    %add3A_73 = vector.broadcast %add3A_72 : i32 to vector<1x256xi32>
    %add3A_74 = arith.addi %broadcast_in_dim3A_71, %add3A_73 : vector<1x256xi32>
    %swap3A_75 = arith.constant 2 : index
    %swap3A_76 = arith.constant 0 : index
    %swap3A_77 = vector.load %arg2[%swap3A_75, %swap3A_76] : memref<4x256xi32, #tpu.memory_space<vmem>>, vector<1x256xi32>
    tpu.vector_store %arg2[%swap3A_75, %swap3A_76], %add3A_74 {strides = array<i32>} : memref<4x256xi32, #tpu.memory_space<vmem>>, vector<1x256xi32>,
    %get3A_78 = arith.constant 288 : index
    %get3A_79 = arith.constant 0 : index
    %get3A_80 = vector.load %arg0[%get3A_78, %get3A_79] : memref<384x256xf32, #tpu.memory_space<vmem>>, vector<96x256xf32>
    %dot_general3A_81 = arith.constant dense<0.000000e+00> : vector<512x256xf32>
    %dot_general3A_82 = tpu.matmul %get3A_1, %get3A_80, %dot_general3A_81 {dimension_numbers = #tpu.dot_dimension_numbers<[1], [0], [0], [1], [0, 0, 1, 1], [], []>, precision = #tpu.contract_precision<fp32>, transpose_lhs_hint = false} : vector<512x96xf32>, vector<96x256xf32>, vector<512x256xf32> -> vector<512x256xf32>
    %mul3A_83 = arith.constant 2.000000e+00 : f32
    %mul3A_84 = vector.broadcast %mul3A_83 : f32 to vector<512x256xf32>
    %mul3A_85 = arith.mulf %mul3A_84, %dot_general3A_82 : vector<512x256xf32>
    %sub3A_86 = vector.broadcast %broadcast_in_dim3A : vector<512x1xf32> to vector<512x256xf32>
    %sub3A_87 = arith.subf %sub3A_86, %mul3A_85 : vector<512x256xf32>
    %reduce_min3A_88 = arith.constant dense<0x7F800000> : vector<256xf32>
    %reduce_min3A_89 = vector.multi_reduction <minimumf>, %sub3A_87, %reduce_min3A_88 [0] : vector<512x256xf32> to vector<256xf32>
    %broadcast_in_dim3A_90 = vector.shape_cast %reduce_min3A_89 : vector<256xf32> to vector<1x256xf32>
    %iota3A_91 = tpu.iota {dimensions = array<i32: 0>} : vector<512x256xi32>
    %eq3A_92 = vector.broadcast %broadcast_in_dim3A_90 : vector<1x256xf32> to vector<512x256xf32>
    %eq3A_93 = arith.cmpf oeq, %sub3A_87, %eq3A_92 : vector<512x256xf32>
    %jit3A_94 = arith.constant 512 : i32
    %broadcast_in_dim3A_95 = vector.broadcast %jit3A_94 : i32 to vector<512x256xi32>
    %select_n3A_96 = arith.select %eq3A_93, %iota3A_91, %broadcast_in_dim3A_95 : vector<512x256xi1>, vector<512x256xi32>
    %reduce_min3A_97 = arith.constant dense<2147483647> : vector<256xi32>
    %reduce_min3A_98 = vector.multi_reduction <minsi>, %select_n3A_96, %reduce_min3A_97 [0] : vector<512x256xi32> to vector<256xi32>
    %broadcast_in_dim3A_99 = vector.shape_cast %reduce_min3A_98 : vector<256xi32> to vector<1x256xi32>
    %add3A_100 = arith.constant 1 : i32
    %add3A_101 = vector.broadcast %add3A_100 : i32 to vector<1x256xi32>
    %add3A_102 = arith.addi %broadcast_in_dim3A_99, %add3A_101 : vector<1x256xi32>
    %swap3A_103 = arith.constant 3 : index
    %swap3A_104 = arith.constant 0 : index
    %swap3A_105 = vector.load %arg2[%swap3A_103, %swap3A_104] : memref<4x256xi32, #tpu.memory_space<vmem>>, vector<1x256xi32>
    tpu.vector_store %arg2[%swap3A_103, %swap3A_104], %add3A_102 {strides = array<i32>} : memref<4x256xi32, #tpu.memory_space<vmem>>, vector<1x256xi32>,
    return
  }
}

</mosaic_0001>

<sc_bundles>
// kernel: kernel.4.cloned.1.call-start
scs
__scs_entry_jumppad:
0x0: {  	(pc) =	sbr.rel $0x88, $3  }
0x1: {  	(tag) =	ssettag $0x0;
	lr =	simm.s32 $0x1  }
0x2: {  	[smem:$0x3F9F] =	sst lr;
	_ =	strace $0xD0000000  }
0x3: {  	_ = 	snop  }
0x4: {  	_ = 	snop  }
0x5: {  	_ = 	snop  }
0x6: {  	_ = 	snop  }
0x7: {  	_ = 	snop  }
__scs_overlays_trampoline_lowered:
0x8: {  	[smem:$0x3FAE] =	sst s0  }
0x9: {  	[smem:$0x3FAF] =	sst s1  }
0xa: {  	[smem:$0x3FB0] =	sst s2  }
0xb: {  	[smem:$0x3FB1] =	sst s3  }
0xc: {  	[smem:$0x3FB2] =	sst s4  }
0xd: {  	[smem:$0x3FB3] =	sst s5  }
0xe: {  	[smem:$0x3FB4] =	sst s6  }
0xf: {  	[smem:$0x3FB5] =	sst s7  }
0x10: {  	[smem:$0x3FB6] =	sst s8  }
0x11: {  	[smem:$0x3FB7] =	sst s9;
	s0 =	simm.s32 @!p0 $0x0  }
0x12: {  	s1 =	sld [smem:$0x3F9D];
	s0 =	simm.s32 @p0 $0x1  }
0x13: {  	[smem:$0x3FB8] =	sst s0;
	s0 =	simm.s32 @!p1 $0x0  }
0x14: {  	s2 =	sld [smem:$0x3F9C];
	s0 =	simm.s32 @p1 $0x1  }
0x15: {  	[smem:$0x3FB9] =	sst s0;
	s0 =	simm.s32 @!p2 $0x0  }
0x16: {  	s3 =	sld [smem:$0x3FDB];
	s0 =	simm.s32 @p2 $0x1  }
0x17: {  	s4 =	simm.s32 $0x1BF5;
	[smem:$0x3FBB] =	sst s0  }
0x18: {  	s0 =	sld [smem:$0x3F9E];
	_ =	swait.ge [sflag:s4], $0x0  }
0x19: {  	s7 =	sld [smem:$0x3F9F]  }
0x1a: {  	s8 =	sadd.s32 $0xFFFFE003, lr  }
0x1b: {  	s9 =	sadd.s32 $0xFFFFFEF7, lr;
	s5 =	simm.s32 $0xFFFFFFFF;
	p2 =	slt.u32 s8, $0xFFFFF086  }
0x1c: {  	p1 =	slt.u32 s9, $0xF7A;
	s5 =	simm.s32 @!p2 $0x0  }
0x1d: {  	s5 =	simm.s32 @p1 $0x1;
	p0 =	seq.s32 s7, s2  }
0x1e: {  	s7 =	smul.u32 @!p0 $0xF7A, s2;
	p2 =	seq.s32 @!p0 s5, $0x0  }
0x1f: {  	s9 =	smul.u32 $0xF7A, s1;
	s8 =	simm.s32 @!p0 $0x1BF5;
	p2 =	por !p2, p0  }
0x20: {  	[sflag:s8] =	ssyncset.s32 @!p0 $0xFFFFF086;
	s6 =	sadd.s32 @!p0 s3, s7;
	s7 =	simm.s32 @!p0 $0x108  }
0x21: {  	s3 =	sadd.s32 s3, s9;
	s6 =	sadd.s32 @!p0 $0x88, s6;
	s7 =	simm.s32 @p2 $0x1082  }
0x22: {  	[simem:s7], [sflag:s8] =	dma.local @!p0 [hbm:s6], $0xF7A  }
0x23: {  	s9 =	sor.u32 $0xD0000000, s2;
	s6 =	simm.s32 $0x108;
	_ =	swait.ge @!p0 [sflag:s8], $0x0  }
0x24: {  	s3 =	sadd.s32 $0x88, s3;
	s6 =	simm.s32 @!p1 $0x1082;
	[sflag:s4] =	ssyncset.s32 $0xFFFFF086  }
0x25: {  	[simem:s6], [sflag:s4] =	dma.local [hbm:s3], $0xF7A  }
0x26: {  	[smem:$0x3F9F] =	sst s1;
	(tag) =	ssettag s2;
	_ =	strace s9  }
0x27: {  	s1 =	sld [smem:$0x3FAF]  }
0x28: {  	s2 =	sld [smem:$0x3FB0]  }
0x29: {  	s4 =	sld [smem:$0x3FB2]  }
0x2a: {  	p0 =	seq.s32 s5, $0x0;
	s5 =	sld [smem:$0x3FB3]  }
0x2b: {  	s6 =	sld [smem:$0x3FB4]  }
0x2c: {  	s7 =	sld [smem:$0x3FB5]  }
0x2d: {  	s3 =	simm.s32 $0x108;
	s8 =	sld [smem:$0x3FB6]  }
0x2e: {  	s3 =	simm.s32 @!p0 $0x1082;
	s9 =	sld [smem:$0x3FB7]  }
0x2f: {  	lr =	sadd.s32 s0, s3;
	s0 =	sld [smem:$0x3FAE]  }
0x30: {  	s3 =	sld [smem:$0x3FB1]  }
0x31: {  	[smem:$0x3FBA] =	sst s10  }
0x32: {  	s10 =	sld [smem:$0x3FB8];
	_ =	sdelay $0x3  }
0x33: {  	p0 =	seq.s32 s10, $0x1;
	s10 =	sld [smem:$0x3FBA];
	_ =	sdelay $0x3  }
0x34: {  	[smem:$0x3FBA] =	sst s10  }
0x35: {  	s10 =	sld [smem:$0x3FB9];
	_ =	sdelay $0x3  }
0x36: {  	p1 =	seq.s32 s10, $0x1;
	s10 =	sld [smem:$0x3FBA];
	_ =	sdelay $0x3  }
0x37: {  	[smem:$0x3FBA] =	sst s10  }
0x38: {  	s10 =	sld [smem:$0x3FBB]  }
0x39: {  	_ = 	snop;
	(pc) =	sbr.ind lr, $3  }
0x3a: {  	_ = 	snop  }
0x3b: {  	_ = 	snop  }
0x3c: {  	p2 =	seq.s32 s10, $0x1;
	s10 =	sld [smem:$0x3FBA]  }
0x3d: {  	_ =	shalt  }
0x3e: {  	_ =	shalt  }
0x3f: {  	_ =	shalt  }
0x40: {  	_ =	shalt  }
0x41: {  	_ =	shalt  }
0x42: {  	_ =	shalt  }
0x43: {  	_ =	shalt  }
0x44: {  	_ =	shalt  }
0x45: {  	_ =	shalt  }
0x46: {  	_ =	shalt  }
0x47: {  	_ =	shalt  }
0x48: {  	_ =	shalt  }
0x49: {  	_ =	shalt  }
0x4a: {  	_ =	shalt  }
0x4b: {  	_ =	shalt  }
0x4c: {  	_ =	shalt  }
0x4d: {  	_ =	shalt  }
0x4e: {  	_ =	shalt  }
0x4f: {  	_ =	shalt  }
0x50: {  	_ =	shalt  }
0x51: {  	_ =	shalt  }
0x52: {  	_ =	shalt  }
0x53: {  	_ =	shalt  }
0x54: {  	_ =	shalt  }
0x55: {  	_ =	shalt  }
0x56: {  	_ =	shalt  }
0x57: {  	_ =	shalt  }
0x58: {  	_ =	shalt  }
0x59: {  	_ =	shalt  }
0x5a: {  	_ =	shalt  }
0x5b: {  	_ =	shalt  }
0x5c: {  	_ =	shalt  }
0x5d: {  	_ =	shalt  }
0x5e: {  	_ =	shalt  }
0x5f: {  	_ =	shalt  }
0x60: {  	_ =	shalt  }
0x61: {  	_ =	shalt  }
0x62: {  	_ =	shalt  }
0x63: {  	_ =	shalt  }
0x64: {  	_ =	shalt  }
0x65: {  	_ =	shalt  }
0x66: {  	_ =	shalt  }
0x67: {  	_ =	shalt  }
0x68: {  	_ =	shalt  }
0x69: {  	_ =	shalt  }
0x6a: {  	_ =	shalt  }
0x6b: {  	_ =	shalt  }
0x6c: {  	_ =	shalt  }
0x6d: {  	_ =	shalt  }
0x6e: {  	_ =	shalt  }
0x6f: {  	_ =	shalt  }
0x70: {  	_ =	shalt  }
0x71: {  	_ =	shalt  }
0x72: {  	_ =	shalt  }
0x73: {  	_ =	shalt  }
0x74: {  	_ =	shalt  }
0x75: {  	_ =	shalt  }
0x76: {  	_ =	shalt  }
0x77: {  	_ =	shalt  }
0x78: {  	_ =	shalt  }
0x79: {  	_ =	shalt  }
0x7a: {  	_ =	shalt  }
0x7b: {  	_ =	shalt  }
0x7c: {  	_ =	shalt  }
0x7d: {  	_ =	shalt  }
0x7e: {  	_ =	shalt  }
0x7f: {  	_ =	shalt  }
0x80: {  	_ =	shalt  }
0x81: {  	_ =	shalt  }
0x82: {  	_ =	shalt  }
0x83: {  	_ =	shalt  }
0x84: {  	_ =	shalt  }
0x85: {  	_ =	shalt  }
0x86: {  	_ =	shalt  }
0x87: {  	_ =	shalt  }
.Lfunc_end0:
.L_simem_size_0:
called_computation_lowered:
.L_overlay_start_0:
0x88: {  	s0 =	sld [smem:$0x3FD9]  }
0x89: {  	s1 =	sld [smem:$0x3FFE];
	_ =	sdelay $0x3  }
0x8a: {  	s0 =	sadd.s32 s1, s0  }
0x8b: {  	[smem:$0x3FC6] =	sst s0  }
0x8c: {  	_ = 	snop  }
0x8d: {  	s0 =	sld [smem:$0x3FD0];
	(tm) =	ssettm $0x1  }
0x8e: {  	s16 =	sld [smem:$0x3FFB];
	_ =	sdelay $0x3  }
0x8f: {  	_ =	strace s16  }
0x90: {  	s1 =	sld [smem:$0x3FFC];
	_ =	sdelay $0x3  }
0x91: {  	_ =	strace s1  }
0x92: {  	s1 =	sld [smem:$0x3FFD];
	_ =	sdelay $0x3  }
0x93: {  	_ =	strace s1  }
0x94: {  	_ =	strace $0x8FFFFFFF  }
0x95: {  	s17 =	sld [smem:$0x3FDB];
	_ =	sdelay $0x1  }
0x96: {  	s2 =	simm.s32 $_scs_section_size  }
0x97: {  	s3 =	simm.s32 $_size__tile_overlayer_lowered;
	s4 =	simm.s32 $_tile_overlayer_lowered  }
0x98: {  	s20 =	simm.s32 $0x1BFF;
	s19 =	sshll.u32 s4, $0x1;
	s1 =	sadd.s32 s2, s17  }
0x99: {  	s5 =	simm.s32 $0x0;
	s18 =	sshll.u32 s3, $0x1;
	s3 =	sadd.s32 s19, s1  }
0x9a: {  	[timem:s5], [sflag:s20] =	dma.local [hbm:s3], s18  }
0x9b: {  	_ =	swait.ge [sflag:s20], s18  }
0x9c: {  	s2 =	ssub.s32 $0x0, s18;
	[sflag:s20] =	ssyncset.done $0x0  }
0x9d: {  	[sflag:s20] =	ssyncadd.s32 s2;
	_ =	sdelay $0x1  }
0x9e: {  	s21 =	simm.s32 $0x1B8B  }
0x9f: {  	_ =	swait.ge [sflag:s21], $0x1  }
0xa0: {  	[sflag:s21] =	ssyncset.done $0x0  }
0xa1: {  	s23 =	simm.s32 $0x1B8E;
	s22 =	sld [smem:$0x3FFE];
	[sflag:s21] =	ssyncadd.s32 $0xFFFFFFFF  }
0xa2: {  	s24 =	simm.s32 $execute0_lowered;
	[smem:$0x3FD2] =	sst s23  }
0xa3: {  	s3 =	sshll.u32 s24, $0x1;
	_ =	strace $0x80000046;
	[dreg:$0x1] =	wrdreg $0xFFFFFFFF  }
0xa4: {  	s25 =	simm.s32 $_size_execute0_lowered;
	s1 =	sadd.s32 s1, s3;
	[dreg:$0x0] =	wrdreg $0x0  }
0xa5: {  	s3 =	sshll.u32 s25, $0x1;
	[dreg:$0x2] =	wrdreg s1  }
0xa6: {  	[dreg:$0x3] =	wrdreg s3  }
0xa7: {  	[dreg:$0x4] =	wrdreg $0xC0  }
0xa8: {  	_ =	task [dreg:s5], $0x5FFFF  }
0xa9: {  	[dreg:$0x1] =	wrdreg $0xFFFFFFFF  }
0xaa: {  	[dreg:$0x0] =	wrdreg $0x60  }
0xab: {  	[dreg:$0x2] =	wrdreg s22  }
0xac: {  	[dreg:$0x3] =	wrdreg s0  }
0xad: {  	[dreg:$0x4] =	wrdreg $0x9  }
0xae: {  	_ =	task.clear_ibuf [dreg:s5], $0x5FFFF;
	_ =	strace $0x90000046  }
0xaf: {  	s26 =	simm.s32 $0x9;
	_ =	strace $0x80000048  }
0xb0: {  	_ =	swait.ge [sflag:s26], $0x1  }
0xb1: {  	[sflag:s26] =	ssyncadd.s32 $0xFFFFFFFF  }
0xb2: {  	_ =	strace $0x90000048  }
0xb3: {  	_ =	sfence  }
0xb4: {  	s28 =	sld [smem:$0x0];
	_ =	sdelay $0x1  }
0xb5: {  	s29 =	srdreg.scid  }
0xb6: {  	s30 =	sshll.u32 s29, $0xD;
	s31 =	sshrl.u32 s29, $0x2  }
0xb7: {  	s2 =	sand.u32 $0x4000, s30;
	s1 =	sand.u32 $0x1, s29;
	s0 =	sadd.s32 s31, s28  }
0xb8: {  	s1 =	sor.u32 s2, s1;
	s0 =	sshll.u32 s0, $0x11  }
0xb9: {  	s0 =	sor.u32 s0, s1  }
0xba: {  	s0 =	sadd.s32 $0x8F2B, s0  }
0xbb: {  	[sflag:s0] =	ssyncadd.remote.s32 $0x1  }
0xbc: {  	_ =	sfence.sel $0xFFFF  }
0xbd: {  	[dreg:$0x0] =	wrdreg $0xFFFFFFFF;
	(pc) =	sbr.abs _section_cstart, $3  }
0xbe: {  	[dreg:$0x1] =	wrdreg $0xFFFFFFFF  }
0xbf: {  	_ =	task.clear_ibuf [dreg:s5], $0x2FFFF;
	_ =	strace $0x9FFFFFFF  }
0xc0: {  	(tm) =	ssettm $0x7FFFFFFF  }
0xc1: {  	_ =	shalt  }
tec
execute0_lowered:
.L_overlay_start_1:
0x0: {  	(tag) =	ssettag $0x1  }
0x1: {  	s1 =	stileid.u32  }
0x2: {  	p0 =	sgt.u32 s1, $0x3  }
.Ltmp0:
0x3: {  	_ = 	snop;
	(pc) =	sbr.rel @p0 .LBB2_2-.Ltmp0, $4  }
0x4: {  	s2 =	rddreg [dreg:$0x0]  }
0x5: {  	s5 =	rddreg [dreg:$0x1];
	s3 =	simm.s32 $0x0  }
0x6: {  	[smem:$0x7FF] =	sst s3  }
0x7: {  	s0 =	rddreg [dreg:$0x2];
	_ =	strace $0x80000047  }
0x8: {  	v0 =	vimm.s32 $0x8C888480;
	v1 =	vimm.s32 $0xCCC8C4C0  }
0x9: {  	v2 =	vimm.s32 $0xC080400;
	v3 =	vimm.s32 $0x4C484440;
	v0 =	vunpack.c.0.s8.s32 v0  }
0xa: {  	v1 =	vunpack.c.0.s8.s32 v1;
	v2 =	vunpack.c.0.s8.s32 v2;
	v3 =	vunpack.c.0.s8.s32 v3  }
0xb: {  	s4 =	simm.s32 $0x100;
	vm0 =	vcmask $0x1F10;
	s26 =	simm.s32 $0x1  }
0xc: {  	[tilespmem:s4], [sflag:$0x1] =	stream.linear.gather [hbm4b:s5+s3], $0x2080, $0x38;
	v0 =	vsel vm0, v1, v0;
	v30 =	vsel vm0, v3, v2;
	[tilespmem:$0x2180] =	vst v63  }
0xd: {  	_ =	swait.ge [sflag:s26], $0x2080;
	v0 =	vcombine.low v30, v0  }
0xe: {  	s6 =	sadd.s32 $0x600, s2;
	s7 =	sshll.u32 s1, $0x5;
	[sflag:s26] =	ssyncset.done $0x0  }
0xf: {  	s6 =	sadd.s32 s6, s7;
	[sflag:s26] =	ssyncadd.s32 $0xFFFFDF80;
	v0 =	vand.u32 $0xFF, v0  }
0x10: {  	[tilespmem:s3], [sflag:$0x1] =	stream.linear.gather [hbm4b:s6+s3], $0x100, $0x38;
	[tilespmem:$0x2180] =	vst v63  }
0x11: {  	_ =	swait.ge [sflag:s26], $0x100  }
0x12: {  	[sflag:s26] =	ssyncset.done $0x0  }
0x13: {  	v31 =	vimm.s32 $0x8D898581;
	v33 =	vimm.s32 $0xCDC9C5C1;
	[sflag:s26] =	ssyncadd.s32 $0xFFFFFF00  }
0x14: {  	v34 =	vimm.s32 $0xD090501;
	v4 =	vimm.s32 $0x4D494541;
	v5 =	vunpack.c.0.s8.s32 v33;
	v32 =	vld.idx.msk [tilespmem:v0+s3+$0x0], $0xffff  }
0x15: {  	v4 =	vunpack.c.0.s8.s32 v4;
	v1 =	vunpack.c.0.s8.s32 v31;
	v3 =	vunpack.c.0.s8.s32 v34  }
0x16: {  	v35 =	vlaneseq.u32  }
0x17: {  	v1 =	vsel vm0, v5, v1;
	v3 =	vsel vm0, v4, v3;
	v0 =	vmul.u32 $0x201, v35  }
0x18: {  	v1 =	vcombine.low v3, v1  }
0x19: {  	v2 =	vadd.s32 v0, v32  }
0x1a: {  	v3 =	vand.u32 $0xFF, v1;
	_ =	sdelay $0x2  }
0x1b: {  	v1 =	vimm.f32 $6.250000000e-02  }
0x1c: {  	v36 =	vimm.s32 $0x8E8A8682;
	v38 =	vimm.s32 $0xCECAC6C2;
	[tilespmem:v2+s4+$0x0] =	vst.idx.add.f32.msk $0xffff, v1  }
0x1d: {  	v39 =	vimm.s32 $0xE0A0602;
	v6 =	vimm.s32 $0x4E4A4642;
	v37 =	vunpack.c.0.s8.s32 v36;
	v3 =	vld.idx.msk [tilespmem:v3+s3+$0x0], $0xffff  }
0x1e: {  	v6 =	vunpack.c.0.s8.s32 v6;
	v4 =	vunpack.c.0.s8.s32 v38;
	v5 =	vunpack.c.0.s8.s32 v39;
	_ =	sdelay $0x1  }
0x1f: {  	v40 =	vsel vm0, v6, v5;
	v2 =	vsel vm0, v4, v37  }
0x20: {  	v2 =	vcombine.low v40, v2  }
0x21: {  	v3 =	vadd.s32 v0, v3  }
0x22: {  	v2 =	vand.u32 $0xFF, v2;
	_ =	sdelay $0x3  }
0x23: {  	v41 =	vimm.s32 $0x8F8B8783;
	v43 =	vimm.s32 $0xCFCBC7C3;
	[tilespmem:v3+s4+$0x0] =	vst.idx.add.f32.msk $0xffff, v1  }
0x24: {  	v44 =	vimm.s32 $0xF0B0703;
	v45 =	vimm.s32 $0x4F4B4743;
	v42 =	vunpack.c.0.s8.s32 v41;
	v2 =	vld.idx.msk [tilespmem:v2+s3+$0x0], $0xffff  }
0x25: {  	v5 =	vunpack.c.0.s8.s32 v44;
	v6 =	vunpack.c.0.s8.s32 v45;
	v4 =	vunpack.c.0.s8.s32 v43;
	_ =	sdelay $0x1  }
0x26: {  	v46 =	vsel vm0, v6, v5;
	v3 =	vsel vm0, v4, v42  }
0x27: {  	v3 =	vcombine.low v46, v3  }
0x28: {  	v2 =	vadd.s32 v0, v2  }
0x29: {  	v3 =	vand.u32 $0xFF, v3;
	_ =	sdelay $0x3  }
0x2a: {  	v47 =	vimm.s32 $0x9C989490;
	v49 =	vimm.s32 $0xDCD8D4D0;
	[tilespmem:v2+s4+$0x0] =	vst.idx.add.f32.msk $0xffff, v1  }
0x2b: {  	v50 =	vimm.s32 $0x1C181410;
	v51 =	vimm.s32 $0x5C585450;
	v48 =	vunpack.c.0.s8.s32 v47;
	v3 =	vld.idx.msk [tilespmem:v3+s3+$0x0], $0xffff  }
0x2c: {  	v5 =	vunpack.c.0.s8.s32 v50;
	v6 =	vunpack.c.0.s8.s32 v51;
	v4 =	vunpack.c.0.s8.s32 v49;
	_ =	sdelay $0x1  }
0x2d: {  	v52 =	vsel vm0, v6, v5;
	v2 =	vsel vm0, v4, v48  }
0x2e: {  	v2 =	vcombine.low v52, v2  }
0x2f: {  	v3 =	vadd.s32 v0, v3  }
0x30: {  	v2 =	vand.u32 $0xFF, v2;
	_ =	sdelay $0x3  }
0x31: {  	v53 =	vimm.s32 $0x9D999591;
	v55 =	vimm.s32 $0xDDD9D5D1;
	[tilespmem:v3+s4+$0x0] =	vst.idx.add.f32.msk $0xffff, v1  }
0x32: {  	v56 =	vimm.s32 $0x1D191511;
	v57 =	vimm.s32 $0x5D595551;
	v54 =	vunpack.c.0.s8.s32 v53;
	v2 =	vld.idx.msk [tilespmem:v2+s3+$0x0], $0xffff  }
0x33: {  	v5 =	vunpack.c.0.s8.s32 v56;
	v6 =	vunpack.c.0.s8.s32 v57;
	v4 =	vunpack.c.0.s8.s32 v55;
	_ =	sdelay $0x1  }
0x34: {  	v58 =	vsel vm0, v6, v5;
	v3 =	vsel vm0, v4, v54  }
0x35: {  	v3 =	vcombine.low v58, v3  }
0x36: {  	v2 =	vadd.s32 v0, v2  }
0x37: {  	v3 =	vand.u32 $0xFF, v3;
	_ =	sdelay $0x3  }
0x38: {  	v59 =	vimm.s32 $0x9E9A9692;
	v61 =	vimm.s32 $0xDEDAD6D2;
	[tilespmem:v2+s4+$0x0] =	vst.idx.add.f32.msk $0xffff, v1  }
0x39: {  	v62 =	vimm.s32 $0x1E1A1612;
	v63 =	vimm.s32 $0x5E5A5652;
	v60 =	vunpack.c.0.s8.s32 v59;
	v3 =	vld.idx.msk [tilespmem:v3+s3+$0x0], $0xffff  }
0x3a: {  	v5 =	vunpack.c.0.s8.s32 v62;
	v6 =	vunpack.c.0.s8.s32 v63;
	v4 =	vunpack.c.0.s8.s32 v61;
	_ =	sdelay $0x1  }
0x3b: {  	v9 =	vsel vm0, v6, v5;
	v2 =	vsel vm0, v4, v60  }
0x3c: {  	v2 =	vcombine.low v9, v2  }
0x3d: {  	v3 =	vadd.s32 v0, v3  }
0x3e: {  	v2 =	vand.u32 $0xFF, v2;
	_ =	sdelay $0x3  }
0x3f: {  	v10 =	vimm.s32 $0x9F9B9793;
	v12 =	vimm.s32 $0xDFDBD7D3;
	[tilespmem:v3+s4+$0x0] =	vst.idx.add.f32.msk $0xffff, v1  }
0x40: {  	v13 =	vimm.s32 $0x1F1B1713;
	v14 =	vimm.s32 $0x5F5B5753;
	v11 =	vunpack.c.0.s8.s32 v10;
	v2 =	vld.idx.msk [tilespmem:v2+s3+$0x0], $0xffff  }
0x41: {  	v5 =	vunpack.c.0.s8.s32 v13;
	v6 =	vunpack.c.0.s8.s32 v14;
	v4 =	vunpack.c.0.s8.s32 v12;
	_ =	sdelay $0x1  }
0x42: {  	v15 =	vsel vm0, v6, v5;
	v3 =	vsel vm0, v4, v11  }
0x43: {  	v3 =	vcombine.low v15, v3  }
0x44: {  	v2 =	vadd.s32 v0, v2  }
0x45: {  	v3 =	vand.u32 $0xFF, v3;
	_ =	sdelay $0x3  }
0x46: {  	v16 =	vimm.s32 $0xACA8A4A0;
	v18 =	vimm.s32 $0xECE8E4E0;
	[tilespmem:v2+s4+$0x0] =	vst.idx.add.f32.msk $0xffff, v1  }
0x47: {  	v19 =	vimm.s32 $0x2C282420;
	v20 =	vimm.s32 $0x6C686460;
	v17 =	vunpack.c.0.s8.s32 v16;
	v3 =	vld.idx.msk [tilespmem:v3+s3+$0x0], $0xffff  }
0x48: {  	v5 =	vunpack.c.0.s8.s32 v19;
	v6 =	vunpack.c.0.s8.s32 v20;
	v4 =	vunpack.c.0.s8.s32 v18;
	_ =	sdelay $0x1  }
0x49: {  	v21 =	vsel vm0, v6, v5;
	v2 =	vsel vm0, v4, v17  }
0x4a: {  	v2 =	vcombine.low v21, v2  }
0x4b: {  	v3 =	vadd.s32 v0, v3  }
0x4c: {  	v2 =	vand.u32 $0xFF, v2;
	_ =	sdelay $0x3  }
0x4d: {  	v22 =	vimm.s32 $0xADA9A5A1;
	v24 =	vimm.s32 $0xEDE9E5E1;
	[tilespmem:v3+s4+$0x0] =	vst.idx.add.f32.msk $0xffff, v1  }
0x4e: {  	v25 =	vimm.s32 $0x2D292521;
	v26 =	vimm.s32 $0x6D696561;
	v23 =	vunpack.c.0.s8.s32 v22;
	v2 =	vld.idx.msk [tilespmem:v2+s3+$0x0], $0xffff  }
0x4f: {  	v5 =	vunpack.c.0.s8.s32 v25;
	v6 =	vunpack.c.0.s8.s32 v26;
	v4 =	vunpack.c.0.s8.s32 v24;
	_ =	sdelay $0x1  }
0x50: {  	v27 =	vsel vm0, v6, v5;
	v3 =	vsel vm0, v4, v23  }
0x51: {  	v3 =	vcombine.low v27, v3  }
0x52: {  	v2 =	vadd.s32 v0, v2  }
0x53: {  	v3 =	vand.u32 $0xFF, v3;
	_ =	sdelay $0x2  }
0x54: {  	v28 =	vimm.s32 $0xAEAAA6A2  }
0x55: {  	v29 =	vunpack.c.0.s8.s32 v28;
	[tilespmem:v2+s4+$0x0] =	vst.idx.add.f32.msk $0xffff, v1  }
0x56: {  	v31 =	vimm.s32 $0x2E2A2622;
	v30 =	vimm.s32 $0xEEEAE6E2;
	v32 =	vimm.s32 $0x6E6A6662;
	v3 =	vld.idx.msk [tilespmem:v3+s3+$0x0], $0xffff  }
0x57: {  	v5 =	vunpack.c.0.s8.s32 v31;
	v6 =	vunpack.c.0.s8.s32 v32;
	v4 =	vunpack.c.0.s8.s32 v30;
	_ =	sdelay $0x1  }
0x58: {  	v33 =	vsel vm0, v6, v5;
	v2 =	vsel vm0, v4, v29  }
0x59: {  	v2 =	vcombine.low v33, v2  }
0x5a: {  	v3 =	vadd.s32 v0, v3  }
0x5b: {  	v2 =	vand.u32 $0xFF, v2;
	_ =	sdelay $0x3  }
0x5c: {  	v36 =	vimm.s32 $0xEFEBE7E3;
	v34 =	vimm.s32 $0xAFABA7A3;
	[tilespmem:v3+s4+$0x0] =	vst.idx.add.f32.msk $0xffff, v1  }
0x5d: {  	v38 =	vimm.s32 $0x6F6B6763;
	v35 =	vunpack.c.0.s8.s32 v34;
	v37 =	vimm.s32 $0x2F2B2723;
	v2 =	vld.idx.msk [tilespmem:v2+s3+$0x0], $0xffff  }
0x5e: {  	v5 =	vunpack.c.0.s8.s32 v37;
	v6 =	vunpack.c.0.s8.s32 v38;
	v4 =	vunpack.c.0.s8.s32 v36;
	_ =	sdelay $0x1  }
0x5f: {  	v39 =	vsel vm0, v6, v5;
	v3 =	vsel vm0, v4, v35  }
0x60: {  	v3 =	vcombine.low v39, v3  }
0x61: {  	v2 =	vadd.s32 v0, v2  }
0x62: {  	v3 =	vand.u32 $0xFF, v3;
	_ =	sdelay $0x3  }
0x63: {  	v44 =	vimm.s32 $0x7C787470;
	v40 =	vimm.s32 $0xBCB8B4B0;
	[tilespmem:v2+s4+$0x0] =	vst.idx.add.f32.msk $0xffff, v1  }
0x64: {  	v43 =	vimm.s32 $0x3C383430;
	v41 =	vunpack.c.0.s8.s32 v40;
	v42 =	vimm.s32 $0xFCF8F4F0;
	v3 =	vld.idx.msk [tilespmem:v3+s3+$0x0], $0xffff  }
0x65: {  	v5 =	vunpack.c.0.s8.s32 v43;
	v6 =	vunpack.c.0.s8.s32 v44;
	v4 =	vunpack.c.0.s8.s32 v42;
	_ =	sdelay $0x1  }
0x66: {  	v45 =	vsel vm0, v6, v5;
	v2 =	vsel vm0, v4, v41  }
0x67: {  	v2 =	vcombine.low v45, v2  }
0x68: {  	v3 =	vadd.s32 v0, v3  }
0x69: {  	v2 =	vand.u32 $0xFF, v2;
	_ =	sdelay $0x2  }
0x6a: {  	v50 =	vimm.s32 $0x7D797571  }
0x6b: {  	v6 =	vunpack.c.0.s8.s32 v50;
	[tilespmem:v3+s4+$0x0] =	vst.idx.add.f32.msk $0xffff, v1  }
0x6c: {  	v49 =	vimm.s32 $0x3D393531;
	v46 =	vimm.s32 $0xBDB9B5B1;
	v48 =	vimm.s32 $0xFDF9F5F1;
	v2 =	vld.idx.msk [tilespmem:v2+s3+$0x0], $0xffff  }
0x6d: {  	v5 =	vunpack.c.0.s8.s32 v49;
	v47 =	vunpack.c.0.s8.s32 v46;
	v4 =	vunpack.c.0.s8.s32 v48;
	_ =	sdelay $0x1  }
0x6e: {  	v51 =	vsel vm0, v6, v5;
	v3 =	vsel vm0, v4, v47  }
0x6f: {  	v3 =	vcombine.low v51, v3  }
0x70: {  	v2 =	vadd.s32 v0, v2  }
0x71: {  	v3 =	vand.u32 $0xFF, v3;
	_ =	sdelay $0x2  }
0x72: {  	v56 =	vimm.s32 $0x7E7A7672  }
0x73: {  	v6 =	vunpack.c.0.s8.s32 v56;
	[tilespmem:v2+s4+$0x0] =	vst.idx.add.f32.msk $0xffff, v1  }
0x74: {  	v55 =	vimm.s32 $0x3E3A3632;
	v52 =	vimm.s32 $0xBEBAB6B2;
	v54 =	vimm.s32 $0xFEFAF6F2;
	v3 =	vld.idx.msk [tilespmem:v3+s3+$0x0], $0xffff  }
0x75: {  	v5 =	vunpack.c.0.s8.s32 v55;
	v53 =	vunpack.c.0.s8.s32 v52;
	v4 =	vunpack.c.0.s8.s32 v54;
	_ =	sdelay $0x1  }
0x76: {  	v57 =	vsel vm0, v6, v5;
	v2 =	vsel vm0, v4, v53  }
0x77: {  	v2 =	vcombine.low v57, v2  }
0x78: {  	v3 =	vadd.s32 v0, v3  }
0x79: {  	v2 =	vand.u32 $0xFF, v2;
	_ =	sdelay $0x2  }
0x7a: {  	v62 =	vimm.s32 $0x7F7B7773  }
0x7b: {  	v6 =	vunpack.c.0.s8.s32 v62;
	[tilespmem:v3+s4+$0x0] =	vst.idx.add.f32.msk $0xffff, v1  }
0x7c: {  	v61 =	vimm.s32 $0x3F3B3733;
	v58 =	vimm.s32 $0xBFBBB7B3;
	v60 =	vimm.s32 $0xFFFBF7F3;
	v2 =	vld.idx.msk [tilespmem:v2+s3+$0x0], $0xffff  }
0x7d: {  	v5 =	vunpack.c.0.s8.s32 v61;
	v59 =	vunpack.c.0.s8.s32 v58;
	v4 =	vunpack.c.0.s8.s32 v60;
	_ =	sdelay $0x1  }
0x7e: {  	v63 =	vsel vm0, v6, v5;
	v3 =	vsel vm0, v4, v59  }
0x7f: {  	v3 =	vcombine.low v63, v3  }
0x80: {  	v2 =	vadd.s32 v0, v2  }
0x81: {  	v3 =	vand.u32 $0xFF, v3;
	_ =	sdelay $0x3  }
0x82: {  	[tilespmem:v2+s4+$0x0] =	vst.idx.add.f32.msk $0xffff, v1  }
0x83: {  	v2 =	vld.idx.msk [tilespmem:v3+s3+$0x0], $0xffff;
	_ =	sdelay $0x4  }
0x84: {  	v0 =	vadd.s32 v0, v2;
	_ =	sdelay $0x3  }
0x85: {  	s28 =	sadd.s32 $0x800, s2;
	s29 =	sshll.u32 s1, $0x4  }
0x86: {  	s30 =	simm.s32 $0x80;
	s31 =	simm.s32 $0x200;
	s2 =	sadd.s32 s28, s29;
	[tilespmem:v0+s4+$0x0] =	vst.idx.add.f32.msk $0xffff, v1  }
0x87: {  	[hbm4b:s2+s30] =	stream.strided.scatter [tilespmem:s4], [sflag:$0x1], $0x2080, s31, s30, $0x38;
	[tilespmem:$0x2180] =	vst v63  }
0x88: {  	_ =	swait.ge [sflag:s26], $0x2080  }
0x89: {  	[sflag:s26] =	ssyncset.done $0x0  }
0x8a: {  	[sflag:s26] =	ssyncadd.s32 $0xFFFFDF80  }
.LBB2_2:
0x8b: {  	_ =	sfence.sel $0x180000  }
0x8c: {  	[bflag:$0x0] =	sbarrier.arrive $0xFFFF  }
0x8d: {  	p0 =	sne.s32 s1, $0x0;
	_ =	strace $0x90000047  }
0x8e: {  	s0 =	sadd.s32 @!p0 $0x100000, s0;
	[bflag:$0x2] =	sbarrier.arrive $0xFFFF  }
0x8f: {  	[sflag:s0] =	ssyncadd.tile.s32 @!p0 $0x1;
	_ =	shalt  }
.Lfunc_end2:
_tile_overlayer_lowered:
.L_overlay_start_2:
0x90: {  	(tag) =	ssettag $0x2  }
0x91: {  	s0 =	rddreg [dreg:$0x0];
	s2 =	stileid.u32  }
0x92: {  	s1 =	rddreg [dreg:$0x1];
	p0 =	sne.s32 s2, $0x0  }
0x93: {  	s3 =	rddreg [dreg:$0x2];
	[bflag:$0x3] =	sbarrier.arrive $0xFFFF;
	s2 =	simm.s32 @!p0 $0x1C01  }
0x94: {  	[timem:s3], [sflag:s2] =	dma.local @!p0 [hbm:s0], s1  }
0x95: {  	s0 =	simm.s32 @!p0 $0x1  }
0x96: {  	_ =	swait.ge @!p0 [sflag:s0], s1  }
0x97: {  	s1 =	ssub.s32 @!p0 $0x0, s1;
	[sflag:s0] =	ssyncset.done @!p0 $0x0  }
0x98: {  	[sflag:s0] =	ssyncadd.s32 @!p0 s1  }
0x99: {  	[bflag:$0x3] =	sbarrier.arrive $0xFFFF  }
0x9a: {  	_ =	shalt  }

</sc_bundles>
